<compile_context>
chip_gen: v7x
topology: tpu7x:2x2x1
jax: 0.10.2.dev20260603
libtpu: 0.0.44.dev20260713+nightly
codegen_flags: <defaults>
</compile_context>

<pallas_src>
import dataclasses
import functools

import jax
import jax.numpy as jnp
from jax import lax
from jax.experimental import pallas as pl
from jax.experimental.pallas import tpu as pltpu
from jax.experimental.pallas import tpu_sc as plsc

NC = 2
NS = 16
NW = NC * NS
L = 16
CHUNK = 128
NBUF = 4


def _mesh():
    return plsc.VectorSubcoreMesh(core_axis_name="c", subcore_axis_name="s")


def _sc_params():
    cp = pltpu.CompilerParams(use_tc_tiling_on_sc=False)
    if "needs_layout_passes" in pltpu.CompilerParams.__dataclass_fields__:
        cp = dataclasses.replace(cp, needs_layout_passes=False)
    return cp


def _matmul_call(N, D):

    def body(x_ref, w_ref, o_ref):
        o_ref[...] = jnp.dot(x_ref[...], w_ref[...],
                             preferred_element_type=jnp.float32)

    return pl.pallas_call(
        body, out_shape=jax.ShapeDtypeStruct((N, D), jnp.float32)
    )


def _hist_call(Np, EPT):

    cols = Np // NS

    @functools.partial(
        pl.kernel,
        out_type=jax.ShapeDtypeStruct((NC, 2, Np), jnp.float32),
        mesh=_mesh(),
        compiler_params=_sc_params(),
        scratch_types=[
            pltpu.VMEM((Np,), jnp.float32),
            pltpu.VMEM((Np,), jnp.float32),
            pltpu.VMEM((EPT,), jnp.int32),
            pltpu.VMEM((EPT,), jnp.int32),
            pltpu.VMEM((NS, cols), jnp.float32),
            pltpu.VMEM((cols,), jnp.float32),
            pltpu.VMEM_SHARED((NS, Np), jnp.float32),
        ],
    )
    def hist(src_hbm, dst_hbm, zeros_hbm, out_hbm,
             hsrc, hdst, esrc, edst, red, rsum, shared):
        c = lax.axis_index("c")
        s = lax.axis_index("s")
        wid = c * NS + s
        pltpu.sync_copy(zeros_hbm, hsrc)
        pltpu.sync_copy(zeros_hbm, hdst)
        pltpu.sync_copy(src_hbm.at[wid], esrc)
        pltpu.sync_copy(dst_hbm.at[wid], edst)
        ones = jnp.full((L,), 1.0, jnp.float32)

        @pl.loop(0, EPT, step=L)
        def _(j):
            plsc.addupdate_scatter(hsrc, [esrc[pl.ds(j, L)]], ones)
            plsc.addupdate_scatter(hdst, [edst[pl.ds(j, L)]], ones)

        for kind, h in enumerate((hsrc, hdst)):
            pltpu.sync_copy(h, shared.at[s])
            plsc.subcore_barrier()
            pltpu.sync_copy(shared.at[:, pl.ds(s * cols, cols)], red)

            @pl.loop(0, cols, step=L)
            def _(j):
                acc = red[0, pl.ds(j, L)]
                for r in range(1, NS):
                    acc = acc + red[r, pl.ds(j, L)]
                rsum[pl.ds(j, L)] = acc

            pltpu.sync_copy(rsum, out_hbm.at[c, kind, pl.ds(s * cols, cols)])
            plsc.subcore_barrier()

    return hist


def _scale_call(N, Np, D):

    def body(y_ref, h_ref, o_ref):
        deg = h_ref[0, 0, :] + h_ref[1, 0, :]
        s = lax.rsqrt(jnp.maximum(deg[:N], 1.0))
        yb = (y_ref[...] * s[:, None]).astype(jnp.bfloat16)
        for c in range(NC):
            o_ref[c] = yb

    return pl.pallas_call(
        body, out_shape=jax.ShapeDtypeStruct((NC, N, D), jnp.bfloat16)
    )


def _agg_call(Np, CPT, CPT0, D):

    rows_per_tile = Np // NS
    CPT1 = CPT - CPT0

    @functools.partial(
        pl.kernel,
        out_type=jax.ShapeDtypeStruct((NC, Np, D), jnp.bfloat16),
        mesh=_mesh(),
        compiler_params=_sc_params(),
        scratch_types=[
            pltpu.VMEM((CPT, CHUNK), jnp.int32),
            pltpu.VMEM((CPT, CHUNK), jnp.int32),
            [pltpu.VMEM((CHUNK, D), jnp.bfloat16) for _ in range(NBUF)],
            pltpu.VMEM_SHARED((Np, D), jnp.bfloat16),
            [pltpu.SemaphoreType.DMA for _ in range(NBUF)],
            [pltpu.SemaphoreType.DMA for _ in range(NBUF)],
        ],
    )
    def agg(feat_hbm, src_hbm, dst_hbm, zrows_hbm, out_hbm,
            sidx, didx, bufs, accum, gsems, ssems):
        c = lax.axis_index("c")
        s = lax.axis_index("s")
        base = jnp.where(c == 0, 0, CPT0)
        nch = jnp.where(c == 0, CPT0, CPT1)
        my_rows = pl.ds(s * rows_per_tile, rows_per_tile)
        pltpu.sync_copy(zrows_hbm.at[my_rows], accum.at[my_rows])
        pltpu.sync_copy(src_hbm.at[s], sidx)
        pltpu.sync_copy(dst_hbm.at[s], didx)
        plsc.subcore_barrier()
        feat_c = feat_hbm.at[c]

        def wait_gather(b, ch):
            pltpu.make_async_copy(feat_c.at[sidx.at[ch]], bufs[b],
                                  gsems[b]).wait()

        def scatter_add(b, ch):
            pltpu.async_copy(bufs[b], accum.at[didx.at[ch]], ssems[b],
                             add=True).wait()

        for b in range(NBUF):
            pltpu.async_copy(feat_c.at[sidx.at[base + b]], bufs[b],
                             gsems[b])

        @pl.loop(0, nch - NBUF, step=NBUF)
        def _(c0):
            for b in range(NBUF):
                ch = base + c0 + b
                wait_gather(b, ch)
                scatter_add(b, ch)
                pltpu.async_copy(feat_c.at[sidx.at[ch + NBUF]], bufs[b],
                                 gsems[b])

        for b in range(NBUF):
            ch = base + nch - NBUF + b
            wait_gather(b, ch)
            scatter_add(b, ch)

        plsc.subcore_barrier()
        pltpu.sync_copy(accum.at[my_rows], out_hbm.at[c].at[my_rows])

    return agg


def _out_call(Np, D):

    def body(a_ref, h_ref, b_ref, o_ref):
        a = a_ref[0].astype(jnp.float32) + a_ref[1].astype(jnp.float32)
        deg = h_ref[0, 1, :] + h_ref[1, 1, :]
        s = lax.rsqrt(jnp.maximum(deg, 1.0))
        o_ref[...] = jnp.maximum(a * s[:, None] + b_ref[...], 0.0)

    return pl.pallas_call(
        body, out_shape=jax.ShapeDtypeStruct((Np, D), jnp.float32)
    )


def kernel(features, edge_index, W, b):
    N, D = features.shape
    E = edge_index.shape[1]
    Np = -(-(N + 1) // 2048) * 2048
    grain = CHUNK * NBUF
    EPT = -(-E // (NS * grain)) * grain
    CPT = EPT // CHUNK
    CPT0 = max(NBUF, min(CPT - NBUF, (-(-(CPT * 31) // 40) // NBUF) * NBUF))
    E_pad = NS * EPT

    srcp = jnp.concatenate([edge_index[0],
                            jnp.zeros((E_pad - E,), jnp.int32)])
    dstp = jnp.concatenate([edge_index[1],
                            jnp.full((E_pad - E,), N, jnp.int32)])
    zeros1 = jnp.zeros((Np,), jnp.float32)
    zeros2 = jnp.zeros((Np, D), jnp.bfloat16)

    y = _matmul_call(N, D)(features.astype(jnp.float32),
                           W.astype(jnp.float32))
    if E % (NW * L) == 0:
        hsrc, hdst, EPW = edge_index[0], edge_index[1], E // NW
    else:
        padN = jnp.full((-(-E // (NW * L)) * NW * L - E,), N, jnp.int32)
        hsrc = jnp.concatenate([edge_index[0], padN])
        hdst = jnp.concatenate([edge_index[1], padN])
        EPW = hsrc.shape[0] // NW
    hists = _hist_call(Np, EPW)(hsrc.reshape(NW, EPW), hdst.reshape(NW, EPW),
                                zeros1)
    yb = _scale_call(N, Np, D)(y, hists)
    agg = _agg_call(Np, CPT, CPT0, D)(yb, srcp.reshape(NS, CPT, CHUNK),
                                      dstp.reshape(NS, CPT, CHUNK), zeros2)
    out = _out_call(Np, D)(agg, hists, b.astype(jnp.float32).reshape(1, D))
    return out[:N]

# --- scband reference (transcript-rebuilt; emitter-appended) ---
"""Pipeline reference for scband-graph-conv-65481071394920 (READ-ONLY COPY).

The authoritative reference and input builder live on the scoring server;
editing this copy changes nothing except your own understanding.
"""

import jax, jax.numpy as jnp
import numpy as np

N = 10000
E = 320000
D = 128

def setup_inputs(seed: int = 0) -> dict:
    key = jax.random.key(seed)
    k1, k2, k3, k4 = jax.random.split(key, 4)
    features = jax.random.normal(k1, (N, D), dtype=jnp.float32)
    edge_index = jax.random.randint(k2, (2, E), 0, N, dtype=jnp.int32)
    # DGL GraphConv learned params: weight (in_dim, out_dim) glorot, bias zeros
    limit = np.sqrt(6.0 / (D + D)).astype(np.float32)
    W = jax.random.uniform(k3, (D, D), dtype=jnp.float32, minval=-limit, maxval=limit)
    b = jnp.zeros((D,), dtype=jnp.float32)
    return {"features": features, "edge_index": edge_index, "W": W, "b": b}

def reference(features, edge_index, W, b):
    # DGL GraphConv with norm='both', bias=True; in_dim == out_dim so aggregate-then-matmul
    src = edge_index[0]
    dst = edge_index[1]
    ones = jnp.ones((src.shape[0],), dtype=features.dtype)
    # out-degree normalization on source features
    deg_out = jnp.clip(jax.ops.segment_sum(ones, src, num_segments=N), 1.0)
    feat = features * (deg_out ** -0.5)[:, None]
    # message passing: copy_u + sum reduce (scatter-add over dst)
    msg = jnp.take(feat, src, axis=0)
    agg = jax.ops.segment_sum(msg, dst, num_segments=N)
    # in-degree normalization on destination
    deg_in = jnp.clip(jax.ops.segment_sum(ones, dst, num_segments=N), 1.0)
    agg = agg * (deg_in ** -0.5)[:, None]
    out = agg @ W + b
    # wrapper applies ReLU; dropout=0 so no dropout
    return jax.nn.relu(out)

if __name__ == "__main__":
    import jax
    _d = setup_inputs()
    print(jax.jit(kernel)(*tuple(_d.values())))

</pallas_src>

<mosaic_0001>
#map = affine_map<(d0, d1) -> (0, 0, 0)>
#map1 = affine_map<(d0, d1) -> (0, 0)>
module attributes {stable_mosaic.version = 14 : i64} {
  func.func @agg(%arg0: i32, %arg1: i32, %arg2: memref<2x10000x128xbf16, #tpu.memory_space<hbm>>, %arg3: memref<16x160x128xi32, #tpu.memory_space<hbm>>, %arg4: memref<16x160x128xi32, #tpu.memory_space<hbm>>, %arg5: memref<10240x128xbf16, #tpu.memory_space<hbm>>, %arg6: memref<2x10240x128xbf16, #tpu.memory_space<hbm>>, %arg7: memref<160x128xi32, #tpu.memory_space<vmem>>, %arg8: memref<160x128xi32, #tpu.memory_space<vmem>>, %arg9: memref<128x128xbf16, #tpu.memory_space<vmem>>, %arg10: memref<128x128xbf16, #tpu.memory_space<vmem>>, %arg11: memref<128x128xbf16, #tpu.memory_space<vmem>>, %arg12: memref<128x128xbf16, #tpu.memory_space<vmem>>, %arg13: memref<10240x128xbf16, #tpu.memory_space<vmem_shared>>, %arg14: memref<!tpu.dma_semaphore, #tpu.memory_space<semaphore_mem>>, %arg15: memref<!tpu.dma_semaphore, #tpu.memory_space<semaphore_mem>>, %arg16: memref<!tpu.dma_semaphore, #tpu.memory_space<semaphore_mem>>, %arg17: memref<!tpu.dma_semaphore, #tpu.memory_space<semaphore_mem>>, %arg18: memref<!tpu.dma_semaphore, #tpu.memory_space<semaphore_mem>>, %arg19: memref<!tpu.dma_semaphore, #tpu.memory_space<semaphore_mem>>, %arg20: memref<!tpu.dma_semaphore, #tpu.memory_space<semaphore_mem>>, %arg21: memref<!tpu.dma_semaphore, #tpu.memory_space<semaphore_mem>>) attributes {dimension_semantics = [#tpu.dimension_semantics<core_parallel>, #tpu.dimension_semantics<subcore_parallel>], iteration_bounds = array<i64: 2, 16>, scalar_prefetch = 0 : i64, scratch_operands = 15 : i64, tpu.core_type = #tpu.core_type<sc_vector_subcore>, window_params = [{transform_indices = #map}, {transform_indices = #map}, {transform_indices = #map}, {transform_indices = #map1}, {transform_indices = #map}]} {
    %eq3A = arith.constant 0 : i32
    %eq3A_0 = arith.cmpi eq, %arg0, %eq3A : i32
    %jit3A = arith.constant 0 : i32
    %jit3A_1 = arith.constant 124 : i32
    %select_n3A = arith.select %eq3A_0, %jit3A, %jit3A_1 : i32
    %eq3A_2 = arith.constant 0 : i32
    %eq3A_3 = arith.cmpi eq, %arg0, %eq3A_2 : i32
    %jit3A_4 = arith.constant 124 : i32
    %jit3A_5 = arith.constant 36 : i32
    %select_n3A_6 = arith.select %eq3A_3, %jit3A_4, %jit3A_5 : i32
    %mul3A = arith.constant 640 : i32
    %mul3A_7 = arith.muli %arg1, %mul3A : i32
    "tpu.region"() ({
      %run_scoped3A = tpu.sem_alloc : memref<!tpu.dma_semaphore, #tpu.memory_space<semaphore_mem>>
      %dma_start3A_180 = arith.constant 0 : i32
      %dma_start3A_181 = tpu.memref_slice %arg13[%mul3A_7, %dma_start3A_180] : memref<10240x128xbf16, #tpu.memory_space<vmem_shared>> -> memref<640x128xbf16, #tpu.memory_space<vmem_shared>>
      %dma_start3A_182 = arith.constant 0 : i32
      %dma_start3A_183 = tpu.memref_slice %arg5[%mul3A_7, %dma_start3A_182] : memref<10240x128xbf16, #tpu.memory_space<hbm>> -> memref<640x128xbf16, #tpu.memory_space<hbm>>
      tpu.enqueue_dma source(%dma_start3A_183 : memref<640x128xbf16, #tpu.memory_space<hbm>>) target(%dma_start3A_181 : memref<640x128xbf16, #tpu.memory_space<vmem_shared>>) target_semaphore(%run_scoped3A : memref<!tpu.dma_semaphore, #tpu.memory_space<semaphore_mem>>)
      %dma_wait3A_184 = arith.constant 0 : i32
      %dma_wait3A_185 = tpu.memref_slice %arg13[%mul3A_7, %dma_wait3A_184] : memref<10240x128xbf16, #tpu.memory_space<vmem_shared>> -> memref<640x128xbf16, #tpu.memory_space<vmem_shared>>
      %dma_wait3A_186 = arith.constant 0 : i32
      %dma_wait3A_187 = tpu.memref_slice %arg5[%mul3A_7, %dma_wait3A_186] : memref<10240x128xbf16, #tpu.memory_space<hbm>> -> memref<640x128xbf16, #tpu.memory_space<hbm>>
      tpu.wait_dma2 semaphore(%run_scoped3A : memref<!tpu.dma_semaphore, #tpu.memory_space<semaphore_mem>>) src(%dma_wait3A_187 : memref<640x128xbf16, #tpu.memory_space<hbm>>) dst(%dma_wait3A_185 : memref<640x128xbf16, #tpu.memory_space<vmem_shared>>)
      tpu.yield
    }) : () -> ()
    "tpu.region"() ({
      %run_scoped3A = tpu.sem_alloc : memref<!tpu.dma_semaphore, #tpu.memory_space<semaphore_mem>>
      %dma_start3A_180 = arith.constant 0 : i32
      %dma_start3A_181 = arith.constant 0 : i32
      %dma_start3A_182 = tpu.memref_slice %arg3[%arg1, %dma_start3A_180, %dma_start3A_181] : memref<16x160x128xi32, #tpu.memory_space<hbm>> -> memref<1x160x128xi32, #tpu.memory_space<hbm>>
      %dma_start3A_183 = tpu.memref_squeeze %dma_start3A_182 : memref<1x160x128xi32, #tpu.memory_space<hbm>> -> memref<160x128xi32, #tpu.memory_space<hbm>>
      %dma_start3A_184 = arith.constant 0 : i32
      %dma_start3A_185 = arith.constant 0 : i32
      %dma_start3A_186 = tpu.memref_slice %arg3[%arg1, %dma_start3A_184, %dma_start3A_185] : memref<16x160x128xi32, #tpu.memory_space<hbm>> -> memref<1x160x128xi32, #tpu.memory_space<hbm>>
      %dma_start3A_187 = tpu.memref_squeeze %dma_start3A_186 : memref<1x160x128xi32, #tpu.memory_space<hbm>> -> memref<160x128xi32, #tpu.memory_space<hbm>>
      tpu.enqueue_dma source(%dma_start3A_187 : memref<160x128xi32, #tpu.memory_space<hbm>>) target(%arg7 : memref<160x128xi32, #tpu.memory_space<vmem>>) target_semaphore(%run_scoped3A : memref<!tpu.dma_semaphore, #tpu.memory_space<semaphore_mem>>)
      %dma_wait3A_188 = arith.constant 0 : i32
      %dma_wait3A_189 = arith.constant 0 : i32
      %dma_wait3A_190 = tpu.memref_slice %arg3[%arg1, %dma_wait3A_188, %dma_wait3A_189] : memref<16x160x128xi32, #tpu.memory_space<hbm>> -> memref<1x160x128xi32, #tpu.memory_space<hbm>>
      %dma_wait3A_191 = tpu.memref_squeeze %dma_wait3A_190 : memref<1x160x128xi32, #tpu.memory_space<hbm>> -> memref<160x128xi32, #tpu.memory_space<hbm>>
      %dma_wait3A_192 = arith.constant 0 : i32
      %dma_wait3A_193 = arith.constant 0 : i32
      %dma_wait3A_194 = tpu.memref_slice %arg3[%arg1, %dma_wait3A_192, %dma_wait3A_193] : memref<16x160x128xi32, #tpu.memory_space<hbm>> -> memref<1x160x128xi32, #tpu.memory_space<hbm>>
      %dma_wait3A_195 = tpu.memref_squeeze %dma_wait3A_194 : memref<1x160x128xi32, #tpu.memory_space<hbm>> -> memref<160x128xi32, #tpu.memory_space<hbm>>
      tpu.wait_dma2 semaphore(%run_scoped3A : memref<!tpu.dma_semaphore, #tpu.memory_space<semaphore_mem>>) src(%dma_wait3A_195 : memref<160x128xi32, #tpu.memory_space<hbm>>) dst(%arg7 : memref<160x128xi32, #tpu.memory_space<vmem>>)
      tpu.yield
    }) : () -> ()
    "tpu.region"() ({
      %run_scoped3A = tpu.sem_alloc : memref<!tpu.dma_semaphore, #tpu.memory_space<semaphore_mem>>
      %dma_start3A_180 = arith.constant 0 : i32
      %dma_start3A_181 = arith.constant 0 : i32
      %dma_start3A_182 = tpu.memref_slice %arg4[%arg1, %dma_start3A_180, %dma_start3A_181] : memref<16x160x128xi32, #tpu.memory_space<hbm>> -> memref<1x160x128xi32, #tpu.memory_space<hbm>>
      %dma_start3A_183 = tpu.memref_squeeze %dma_start3A_182 : memref<1x160x128xi32, #tpu.memory_space<hbm>> -> memref<160x128xi32, #tpu.memory_space<hbm>>
      %dma_start3A_184 = arith.constant 0 : i32
      %dma_start3A_185 = arith.constant 0 : i32
      %dma_start3A_186 = tpu.memref_slice %arg4[%arg1, %dma_start3A_184, %dma_start3A_185] : memref<16x160x128xi32, #tpu.memory_space<hbm>> -> memref<1x160x128xi32, #tpu.memory_space<hbm>>
      %dma_start3A_187 = tpu.memref_squeeze %dma_start3A_186 : memref<1x160x128xi32, #tpu.memory_space<hbm>> -> memref<160x128xi32, #tpu.memory_space<hbm>>
      tpu.enqueue_dma source(%dma_start3A_187 : memref<160x128xi32, #tpu.memory_space<hbm>>) target(%arg8 : memref<160x128xi32, #tpu.memory_space<vmem>>) target_semaphore(%run_scoped3A : memref<!tpu.dma_semaphore, #tpu.memory_space<semaphore_mem>>)
      %dma_wait3A_188 = arith.constant 0 : i32
      %dma_wait3A_189 = arith.constant 0 : i32
      %dma_wait3A_190 = tpu.memref_slice %arg4[%arg1, %dma_wait3A_188, %dma_wait3A_189] : memref<16x160x128xi32, #tpu.memory_space<hbm>> -> memref<1x160x128xi32, #tpu.memory_space<hbm>>
      %dma_wait3A_191 = tpu.memref_squeeze %dma_wait3A_190 : memref<1x160x128xi32, #tpu.memory_space<hbm>> -> memref<160x128xi32, #tpu.memory_space<hbm>>
      %dma_wait3A_192 = arith.constant 0 : i32
      %dma_wait3A_193 = arith.constant 0 : i32
      %dma_wait3A_194 = tpu.memref_slice %arg4[%arg1, %dma_wait3A_192, %dma_wait3A_193] : memref<16x160x128xi32, #tpu.memory_space<hbm>> -> memref<1x160x128xi32, #tpu.memory_space<hbm>>
      %dma_wait3A_195 = tpu.memref_squeeze %dma_wait3A_194 : memref<1x160x128xi32, #tpu.memory_space<hbm>> -> memref<160x128xi32, #tpu.memory_space<hbm>>
      tpu.wait_dma2 semaphore(%run_scoped3A : memref<!tpu.dma_semaphore, #tpu.memory_space<semaphore_mem>>) src(%dma_wait3A_195 : memref<160x128xi32, #tpu.memory_space<hbm>>) dst(%arg8 : memref<160x128xi32, #tpu.memory_space<vmem>>)
      tpu.yield
    }) : () -> ()
    %barrier3A = arith.constant 0 : index
    tpu.barrier barrier_id(%barrier3A)
    %add3A = arith.constant 0 : i32
    %add3A_8 = arith.addi %select_n3A, %add3A : i32
    %dma_start3A = arith.constant 0 : i32
    %dma_start3A_9 = tpu.memref_slice %arg7[%add3A_8, %dma_start3A] : memref<160x128xi32, #tpu.memory_space<vmem>> -> memref<1x128xi32, #tpu.memory_space<vmem>>
    %dma_start3A_10 = tpu.memref_squeeze %dma_start3A_9 : memref<1x128xi32, #tpu.memory_space<vmem>> -> memref<128xi32, #tpu.memory_space<vmem>>
    %dma_start3A_11 = arith.constant 0 : i32
    %dma_start3A_12 = arith.constant 0 : i32
    %dma_start3A_13 = tpu.memref_slice %arg2[%arg0, %dma_start3A_11, %dma_start3A_12] : memref<2x10000x128xbf16, #tpu.memory_space<hbm>> -> memref<1x10000x128xbf16, #tpu.memory_space<hbm>>
    %dma_start3A_14 = tpu.memref_squeeze %dma_start3A_13 : memref<1x10000x128xbf16, #tpu.memory_space<hbm>> -> memref<10000x128xbf16, #tpu.memory_space<hbm>>
    %dma_start3A_15 = arith.constant 0 : i32
    %dma_start3A_16 = arith.constant 0 : i32
    %dma_start3A_17 = tpu.memref_slice %dma_start3A_14[%dma_start3A_15, %dma_start3A_16] : memref<10000x128xbf16, #tpu.memory_space<hbm>> -> memref<10000x128xbf16, #tpu.memory_space<hbm>>
    tpu.enqueue_indirect_dma source(%dma_start3A_17 : memref<10000x128xbf16, #tpu.memory_space<hbm>>) target(%arg9 : memref<128x128xbf16, #tpu.memory_space<vmem>>) offsets(%dma_start3A_10 : memref<128xi32, #tpu.memory_space<vmem>>) semaphore(%arg14 : memref<!tpu.dma_semaphore, #tpu.memory_space<semaphore_mem>>)
    %add3A_18 = arith.constant 1 : i32
    %add3A_19 = arith.addi %select_n3A, %add3A_18 : i32
    %dma_start3A_20 = arith.constant 0 : i32
    %dma_start3A_21 = tpu.memref_slice %arg7[%add3A_19, %dma_start3A_20] : memref<160x128xi32, #tpu.memory_space<vmem>> -> memref<1x128xi32, #tpu.memory_space<vmem>>
    %dma_start3A_22 = tpu.memref_squeeze %dma_start3A_21 : memref<1x128xi32, #tpu.memory_space<vmem>> -> memref<128xi32, #tpu.memory_space<vmem>>
    %dma_start3A_23 = arith.constant 0 : i32
    %dma_start3A_24 = arith.constant 0 : i32
    %dma_start3A_25 = tpu.memref_slice %arg2[%arg0, %dma_start3A_23, %dma_start3A_24] : memref<2x10000x128xbf16, #tpu.memory_space<hbm>> -> memref<1x10000x128xbf16, #tpu.memory_space<hbm>>
    %dma_start3A_26 = tpu.memref_squeeze %dma_start3A_25 : memref<1x10000x128xbf16, #tpu.memory_space<hbm>> -> memref<10000x128xbf16, #tpu.memory_space<hbm>>
    %dma_start3A_27 = arith.constant 0 : i32
    %dma_start3A_28 = arith.constant 0 : i32
    %dma_start3A_29 = tpu.memref_slice %dma_start3A_26[%dma_start3A_27, %dma_start3A_28] : memref<10000x128xbf16, #tpu.memory_space<hbm>> -> memref<10000x128xbf16, #tpu.memory_space<hbm>>
    tpu.enqueue_indirect_dma source(%dma_start3A_29 : memref<10000x128xbf16, #tpu.memory_space<hbm>>) target(%arg10 : memref<128x128xbf16, #tpu.memory_space<vmem>>) offsets(%dma_start3A_22 : memref<128xi32, #tpu.memory_space<vmem>>) semaphore(%arg15 : memref<!tpu.dma_semaphore, #tpu.memory_space<semaphore_mem>>)
    %add3A_30 = arith.constant 2 : i32
    %add3A_31 = arith.addi %select_n3A, %add3A_30 : i32
    %dma_start3A_32 = arith.constant 0 : i32
    %dma_start3A_33 = tpu.memref_slice %arg7[%add3A_31, %dma_start3A_32] : memref<160x128xi32, #tpu.memory_space<vmem>> -> memref<1x128xi32, #tpu.memory_space<vmem>>
    %dma_start3A_34 = tpu.memref_squeeze %dma_start3A_33 : memref<1x128xi32, #tpu.memory_space<vmem>> -> memref<128xi32, #tpu.memory_space<vmem>>
    %dma_start3A_35 = arith.constant 0 : i32
    %dma_start3A_36 = arith.constant 0 : i32
    %dma_start3A_37 = tpu.memref_slice %arg2[%arg0, %dma_start3A_35, %dma_start3A_36] : memref<2x10000x128xbf16, #tpu.memory_space<hbm>> -> memref<1x10000x128xbf16, #tpu.memory_space<hbm>>
    %dma_start3A_38 = tpu.memref_squeeze %dma_start3A_37 : memref<1x10000x128xbf16, #tpu.memory_space<hbm>> -> memref<10000x128xbf16, #tpu.memory_space<hbm>>
    %dma_start3A_39 = arith.constant 0 : i32
    %dma_start3A_40 = arith.constant 0 : i32
    %dma_start3A_41 = tpu.memref_slice %dma_start3A_38[%dma_start3A_39, %dma_start3A_40] : memref<10000x128xbf16, #tpu.memory_space<hbm>> -> memref<10000x128xbf16, #tpu.memory_space<hbm>>
    tpu.enqueue_indirect_dma source(%dma_start3A_41 : memref<10000x128xbf16, #tpu.memory_space<hbm>>) target(%arg11 : memref<128x128xbf16, #tpu.memory_space<vmem>>) offsets(%dma_start3A_34 : memref<128xi32, #tpu.memory_space<vmem>>) semaphore(%arg16 : memref<!tpu.dma_semaphore, #tpu.memory_space<semaphore_mem>>)
    %add3A_42 = arith.constant 3 : i32
    %add3A_43 = arith.addi %select_n3A, %add3A_42 : i32
    %dma_start3A_44 = arith.constant 0 : i32
    %dma_start3A_45 = tpu.memref_slice %arg7[%add3A_43, %dma_start3A_44] : memref<160x128xi32, #tpu.memory_space<vmem>> -> memref<1x128xi32, #tpu.memory_space<vmem>>
    %dma_start3A_46 = tpu.memref_squeeze %dma_start3A_45 : memref<1x128xi32, #tpu.memory_space<vmem>> -> memref<128xi32, #tpu.memory_space<vmem>>
    %dma_start3A_47 = arith.constant 0 : i32
    %dma_start3A_48 = arith.constant 0 : i32
    %dma_start3A_49 = tpu.memref_slice %arg2[%arg0, %dma_start3A_47, %dma_start3A_48] : memref<2x10000x128xbf16, #tpu.memory_space<hbm>> -> memref<1x10000x128xbf16, #tpu.memory_space<hbm>>
    %dma_start3A_50 = tpu.memref_squeeze %dma_start3A_49 : memref<1x10000x128xbf16, #tpu.memory_space<hbm>> -> memref<10000x128xbf16, #tpu.memory_space<hbm>>
    %dma_start3A_51 = arith.constant 0 : i32
    %dma_start3A_52 = arith.constant 0 : i32
    %dma_start3A_53 = tpu.memref_slice %dma_start3A_50[%dma_start3A_51, %dma_start3A_52] : memref<10000x128xbf16, #tpu.memory_space<hbm>> -> memref<10000x128xbf16, #tpu.memory_space<hbm>>
    tpu.enqueue_indirect_dma source(%dma_start3A_53 : memref<10000x128xbf16, #tpu.memory_space<hbm>>) target(%arg12 : memref<128x128xbf16, #tpu.memory_space<vmem>>) offsets(%dma_start3A_46 : memref<128xi32, #tpu.memory_space<vmem>>) semaphore(%arg17 : memref<!tpu.dma_semaphore, #tpu.memory_space<semaphore_mem>>)
    %sub3A = arith.constant 4 : i32
    %sub3A_54 = arith.subi %select_n3A_6, %sub3A : i32
    %sub3A_55 = arith.constant 0 : i32
    %sub3A_56 = arith.subi %sub3A_54, %sub3A_55 : i32
    %sub3A_57 = arith.constant 4 : i32
    %sub3A_58 = arith.constant 1 : i32
    %sub3A_59 = arith.subi %sub3A_57, %sub3A_58 : i32
    %add3A_60 = arith.addi %sub3A_56, %sub3A_59 : i32
    %div3A = arith.constant 4 : i32
    %div3A_61 = arith.divsi %add3A_60, %div3A : i32
    %while3A = arith.constant 4 : i32
    %while3A_62 = arith.constant 0 : i32
    %while3A_63 = arith.constant 0 : i32
    %while3A_64 = arith.subi %div3A_61, %while3A_63 : i32
    %while3A_65 = arith.addi %while3A_63, %while3A_64 : i32
    %while3A_66 = arith.constant 1 : i32
    %while3A_67 = arith.divsi %while3A_64, %while3A_66 : i32
    %while3A_68 = arith.muli %while3A_67, %while3A_66 : i32
    %while3A_69 = arith.addi %while3A_63, %while3A_68 : i32
    %while3A_70 = arith.constant 1 : i32
    scf.for %while3A_180 = %while3A_63 to %while3A_69 step %while3A_70  : i32 {
      %mul3A_181 = arith.muli %while3A_180, %while3A : i32
      %add3A_182 = arith.addi %while3A_62, %mul3A_181 : i32
      %add3A_183 = arith.addi %select_n3A, %add3A_182 : i32
      %add3A_184 = arith.constant 0 : i32
      %add3A_185 = arith.addi %add3A_183, %add3A_184 : i32
      %dma_wait3A_186 = arith.constant 0 : i32
      %dma_wait3A_187 = tpu.memref_slice %arg7[%add3A_185, %dma_wait3A_186] : memref<160x128xi32, #tpu.memory_space<vmem>> -> memref<1x128xi32, #tpu.memory_space<vmem>>
      %dma_wait3A_188 = tpu.memref_squeeze %dma_wait3A_187 : memref<1x128xi32, #tpu.memory_space<vmem>> -> memref<128xi32, #tpu.memory_space<vmem>>
      %dma_wait3A_189 = arith.constant 0 : i32
      %dma_wait3A_190 = arith.constant 0 : i32
      %dma_wait3A_191 = tpu.memref_slice %arg2[%arg0, %dma_wait3A_189, %dma_wait3A_190] : memref<2x10000x128xbf16, #tpu.memory_space<hbm>> -> memref<1x10000x128xbf16, #tpu.memory_space<hbm>>
      %dma_wait3A_192 = tpu.memref_squeeze %dma_wait3A_191 : memref<1x10000x128xbf16, #tpu.memory_space<hbm>> -> memref<10000x128xbf16, #tpu.memory_space<hbm>>
      %dma_wait3A_193 = arith.constant 0 : i32
      %dma_wait3A_194 = arith.constant 0 : i32
      %dma_wait3A_195 = tpu.memref_slice %dma_wait3A_192[%dma_wait3A_193, %dma_wait3A_194] : memref<10000x128xbf16, #tpu.memory_space<hbm>> -> memref<10000x128xbf16, #tpu.memory_space<hbm>>
      tpu.wait_indirect_dma semaphore(%arg14 : memref<!tpu.dma_semaphore, #tpu.memory_space<semaphore_mem>>) src(%dma_wait3A_195 : memref<10000x128xbf16, #tpu.memory_space<hbm>>) dst(%arg9 : memref<128x128xbf16, #tpu.memory_space<vmem>>)
      %dma_start3A_196 = arith.constant 0 : i32
      %dma_start3A_197 = tpu.memref_slice %arg8[%add3A_185, %dma_start3A_196] : memref<160x128xi32, #tpu.memory_space<vmem>> -> memref<1x128xi32, #tpu.memory_space<vmem>>
      %dma_start3A_198 = tpu.memref_squeeze %dma_start3A_197 : memref<1x128xi32, #tpu.memory_space<vmem>> -> memref<128xi32, #tpu.memory_space<vmem>>
      %dma_start3A_199 = arith.constant 0 : i32
      %dma_start3A_200 = arith.constant 0 : i32
      %dma_start3A_201 = tpu.memref_slice %arg13[%dma_start3A_199, %dma_start3A_200] : memref<10240x128xbf16, #tpu.memory_space<vmem_shared>> -> memref<10240x128xbf16, #tpu.memory_space<vmem_shared>>
      tpu.enqueue_indirect_dma source(%arg9 : memref<128x128xbf16, #tpu.memory_space<vmem>>) target(%dma_start3A_201 : memref<10240x128xbf16, #tpu.memory_space<vmem_shared>>) offsets(%dma_start3A_198 : memref<128xi32, #tpu.memory_space<vmem>>) semaphore(%arg18 : memref<!tpu.dma_semaphore, #tpu.memory_space<semaphore_mem>>) {add = true}
      %dma_wait3A_202 = arith.constant 0 : i32
      %dma_wait3A_203 = tpu.memref_slice %arg8[%add3A_185, %dma_wait3A_202] : memref<160x128xi32, #tpu.memory_space<vmem>> -> memref<1x128xi32, #tpu.memory_space<vmem>>
      %dma_wait3A_204 = tpu.memref_squeeze %dma_wait3A_203 : memref<1x128xi32, #tpu.memory_space<vmem>> -> memref<128xi32, #tpu.memory_space<vmem>>
      %dma_wait3A_205 = arith.constant 0 : i32
      %dma_wait3A_206 = arith.constant 0 : i32
      %dma_wait3A_207 = tpu.memref_slice %arg13[%dma_wait3A_205, %dma_wait3A_206] : memref<10240x128xbf16, #tpu.memory_space<vmem_shared>> -> memref<10240x128xbf16, #tpu.memory_space<vmem_shared>>
      tpu.wait_indirect_dma semaphore(%arg18 : memref<!tpu.dma_semaphore, #tpu.memory_space<semaphore_mem>>) src(%arg9 : memref<128x128xbf16, #tpu.memory_space<vmem>>) dst(%dma_wait3A_207 : memref<10240x128xbf16, #tpu.memory_space<vmem_shared>>)
      %add3A_208 = arith.constant 4 : i32
      %add3A_209 = arith.addi %add3A_185, %add3A_208 : i32
      %dma_start3A_210 = arith.constant 0 : i32
      %dma_start3A_211 = tpu.memref_slice %arg7[%add3A_209, %dma_start3A_210] : memref<160x128xi32, #tpu.memory_space<vmem>> -> memref<1x128xi32, #tpu.memory_space<vmem>>
      %dma_start3A_212 = tpu.memref_squeeze %dma_start3A_211 : memref<1x128xi32, #tpu.memory_space<vmem>> -> memref<128xi32, #tpu.memory_space<vmem>>
      %dma_start3A_213 = arith.constant 0 : i32
      %dma_start3A_214 = arith.constant 0 : i32
      %dma_start3A_215 = tpu.memref_slice %arg2[%arg0, %dma_start3A_213, %dma_start3A_214] : memref<2x10000x128xbf16, #tpu.memory_space<hbm>> -> memref<1x10000x128xbf16, #tpu.memory_space<hbm>>
      %dma_start3A_216 = tpu.memref_squeeze %dma_start3A_215 : memref<1x10000x128xbf16, #tpu.memory_space<hbm>> -> memref<10000x128xbf16, #tpu.memory_space<hbm>>
      %dma_start3A_217 = arith.constant 0 : i32
      %dma_start3A_218 = arith.constant 0 : i32
      %dma_start3A_219 = tpu.memref_slice %dma_start3A_216[%dma_start3A_217, %dma_start3A_218] : memref<10000x128xbf16, #tpu.memory_space<hbm>> -> memref<10000x128xbf16, #tpu.memory_space<hbm>>
      tpu.enqueue_indirect_dma source(%dma_start3A_219 : memref<10000x128xbf16, #tpu.memory_space<hbm>>) target(%arg9 : memref<128x128xbf16, #tpu.memory_space<vmem>>) offsets(%dma_start3A_212 : memref<128xi32, #tpu.memory_space<vmem>>) semaphore(%arg14 : memref<!tpu.dma_semaphore, #tpu.memory_space<semaphore_mem>>)
      %add3A_220 = arith.addi %select_n3A, %add3A_182 : i32
      %add3A_221 = arith.constant 1 : i32
      %add3A_222 = arith.addi %add3A_220, %add3A_221 : i32
      %dma_wait3A_223 = arith.constant 0 : i32
      %dma_wait3A_224 = tpu.memref_slice %arg7[%add3A_222, %dma_wait3A_223] : memref<160x128xi32, #tpu.memory_space<vmem>> -> memref<1x128xi32, #tpu.memory_space<vmem>>
      %dma_wait3A_225 = tpu.memref_squeeze %dma_wait3A_224 : memref<1x128xi32, #tpu.memory_space<vmem>> -> memref<128xi32, #tpu.memory_space<vmem>>
      %dma_wait3A_226 = arith.constant 0 : i32
      %dma_wait3A_227 = arith.constant 0 : i32
      %dma_wait3A_228 = tpu.memref_slice %arg2[%arg0, %dma_wait3A_226, %dma_wait3A_227] : memref<2x10000x128xbf16, #tpu.memory_space<hbm>> -> memref<1x10000x128xbf16, #tpu.memory_space<hbm>>
      %dma_wait3A_229 = tpu.memref_squeeze %dma_wait3A_228 : memref<1x10000x128xbf16, #tpu.memory_space<hbm>> -> memref<10000x128xbf16, #tpu.memory_space<hbm>>
      %dma_wait3A_230 = arith.constant 0 : i32
      %dma_wait3A_231 = arith.constant 0 : i32
      %dma_wait3A_232 = tpu.memref_slice %dma_wait3A_229[%dma_wait3A_230, %dma_wait3A_231] : memref<10000x128xbf16, #tpu.memory_space<hbm>> -> memref<10000x128xbf16, #tpu.memory_space<hbm>>
      tpu.wait_indirect_dma semaphore(%arg15 : memref<!tpu.dma_semaphore, #tpu.memory_space<semaphore_mem>>) src(%dma_wait3A_232 : memref<10000x128xbf16, #tpu.memory_space<hbm>>) dst(%arg10 : memref<128x128xbf16, #tpu.memory_space<vmem>>)
      %dma_start3A_233 = arith.constant 0 : i32
      %dma_start3A_234 = tpu.memref_slice %arg8[%add3A_222, %dma_start3A_233] : memref<160x128xi32, #tpu.memory_space<vmem>> -> memref<1x128xi32, #tpu.memory_space<vmem>>
      %dma_start3A_235 = tpu.memref_squeeze %dma_start3A_234 : memref<1x128xi32, #tpu.memory_space<vmem>> -> memref<128xi32, #tpu.memory_space<vmem>>
      %dma_start3A_236 = arith.constant 0 : i32
      %dma_start3A_237 = arith.constant 0 : i32
      %dma_start3A_238 = tpu.memref_slice %arg13[%dma_start3A_236, %dma_start3A_237] : memref<10240x128xbf16, #tpu.memory_space<vmem_shared>> -> memref<10240x128xbf16, #tpu.memory_space<vmem_shared>>
      tpu.enqueue_indirect_dma source(%arg10 : memref<128x128xbf16, #tpu.memory_space<vmem>>) target(%dma_start3A_238 : memref<10240x128xbf16, #tpu.memory_space<vmem_shared>>) offsets(%dma_start3A_235 : memref<128xi32, #tpu.memory_space<vmem>>) semaphore(%arg19 : memref<!tpu.dma_semaphore, #tpu.memory_space<semaphore_mem>>) {add = true}
      %dma_wait3A_239 = arith.constant 0 : i32
      %dma_wait3A_240 = tpu.memref_slice %arg8[%add3A_222, %dma_wait3A_239] : memref<160x128xi32, #tpu.memory_space<vmem>> -> memref<1x128xi32, #tpu.memory_space<vmem>>
      %dma_wait3A_241 = tpu.memref_squeeze %dma_wait3A_240 : memref<1x128xi32, #tpu.memory_space<vmem>> -> memref<128xi32, #tpu.memory_space<vmem>>
      %dma_wait3A_242 = arith.constant 0 : i32
      %dma_wait3A_243 = arith.constant 0 : i32
      %dma_wait3A_244 = tpu.memref_slice %arg13[%dma_wait3A_242, %dma_wait3A_243] : memref<10240x128xbf16, #tpu.memory_space<vmem_shared>> -> memref<10240x128xbf16, #tpu.memory_space<vmem_shared>>
      tpu.wait_indirect_dma semaphore(%arg19 : memref<!tpu.dma_semaphore, #tpu.memory_space<semaphore_mem>>) src(%arg10 : memref<128x128xbf16, #tpu.memory_space<vmem>>) dst(%dma_wait3A_244 : memref<10240x128xbf16, #tpu.memory_space<vmem_shared>>)
      %add3A_245 = arith.constant 4 : i32
      %add3A_246 = arith.addi %add3A_222, %add3A_245 : i32
      %dma_start3A_247 = arith.constant 0 : i32
      %dma_start3A_248 = tpu.memref_slice %arg7[%add3A_246, %dma_start3A_247] : memref<160x128xi32, #tpu.memory_space<vmem>> -> memref<1x128xi32, #tpu.memory_space<vmem>>
      %dma_start3A_249 = tpu.memref_squeeze %dma_start3A_248 : memref<1x128xi32, #tpu.memory_space<vmem>> -> memref<128xi32, #tpu.memory_space<vmem>>
      %dma_start3A_250 = arith.constant 0 : i32
      %dma_start3A_251 = arith.constant 0 : i32
      %dma_start3A_252 = tpu.memref_slice %arg2[%arg0, %dma_start3A_250, %dma_start3A_251] : memref<2x10000x128xbf16, #tpu.memory_space<hbm>> -> memref<1x10000x128xbf16, #tpu.memory_space<hbm>>
      %dma_start3A_253 = tpu.memref_squeeze %dma_start3A_252 : memref<1x10000x128xbf16, #tpu.memory_space<hbm>> -> memref<10000x128xbf16, #tpu.memory_space<hbm>>
      %dma_start3A_254 = arith.constant 0 : i32
      %dma_start3A_255 = arith.constant 0 : i32
      %dma_start3A_256 = tpu.memref_slice %dma_start3A_253[%dma_start3A_254, %dma_start3A_255] : memref<10000x128xbf16, #tpu.memory_space<hbm>> -> memref<10000x128xbf16, #tpu.memory_space<hbm>>
      tpu.enqueue_indirect_dma source(%dma_start3A_256 : memref<10000x128xbf16, #tpu.memory_space<hbm>>) target(%arg10 : memref<128x128xbf16, #tpu.memory_space<vmem>>) offsets(%dma_start3A_249 : memref<128xi32, #tpu.memory_space<vmem>>) semaphore(%arg15 : memref<!tpu.dma_semaphore, #tpu.memory_space<semaphore_mem>>)
      %add3A_257 = arith.addi %select_n3A, %add3A_182 : i32
      %add3A_258 = arith.constant 2 : i32
      %add3A_259 = arith.addi %add3A_257, %add3A_258 : i32
      %dma_wait3A_260 = arith.constant 0 : i32
      %dma_wait3A_261 = tpu.memref_slice %arg7[%add3A_259, %dma_wait3A_260] : memref<160x128xi32, #tpu.memory_space<vmem>> -> memref<1x128xi32, #tpu.memory_space<vmem>>
      %dma_wait3A_262 = tpu.memref_squeeze %dma_wait3A_261 : memref<1x128xi32, #tpu.memory_space<vmem>> -> memref<128xi32, #tpu.memory_space<vmem>>
      %dma_wait3A_263 = arith.constant 0 : i32
      %dma_wait3A_264 = arith.constant 0 : i32
      %dma_wait3A_265 = tpu.memref_slice %arg2[%arg0, %dma_wait3A_263, %dma_wait3A_264] : memref<2x10000x128xbf16, #tpu.memory_space<hbm>> -> memref<1x10000x128xbf16, #tpu.memory_space<hbm>>
      %dma_wait3A_266 = tpu.memref_squeeze %dma_wait3A_265 : memref<1x10000x128xbf16, #tpu.memory_space<hbm>> -> memref<10000x128xbf16, #tpu.memory_space<hbm>>
      %dma_wait3A_267 = arith.constant 0 : i32
      %dma_wait3A_268 = arith.constant 0 : i32
      %dma_wait3A_269 = tpu.memref_slice %dma_wait3A_266[%dma_wait3A_267, %dma_wait3A_268] : memref<10000x128xbf16, #tpu.memory_space<hbm>> -> memref<10000x128xbf16, #tpu.memory_space<hbm>>
      tpu.wait_indirect_dma semaphore(%arg16 : memref<!tpu.dma_semaphore, #tpu.memory_space<semaphore_mem>>) src(%dma_wait3A_269 : memref<10000x128xbf16, #tpu.memory_space<hbm>>) dst(%arg11 : memref<128x128xbf16, #tpu.memory_space<vmem>>)
      %dma_start3A_270 = arith.constant 0 : i32
      %dma_start3A_271 = tpu.memref_slice %arg8[%add3A_259, %dma_start3A_270] : memref<160x128xi32, #tpu.memory_space<vmem>> -> memref<1x128xi32, #tpu.memory_space<vmem>>
      %dma_start3A_272 = tpu.memref_squeeze %dma_start3A_271 : memref<1x128xi32, #tpu.memory_space<vmem>> -> memref<128xi32, #tpu.memory_space<vmem>>
      %dma_start3A_273 = arith.constant 0 : i32
      %dma_start3A_274 = arith.constant 0 : i32
      %dma_start3A_275 = tpu.memref_slice %arg13[%dma_start3A_273, %dma_start3A_274] : memref<10240x128xbf16, #tpu.memory_space<vmem_shared>> -> memref<10240x128xbf16, #tpu.memory_space<vmem_shared>>
      tpu.enqueue_indirect_dma source(%arg11 : memref<128x128xbf16, #tpu.memory_space<vmem>>) target(%dma_start3A_275 : memref<10240x128xbf16, #tpu.memory_space<vmem_shared>>) offsets(%dma_start3A_272 : memref<128xi32, #tpu.memory_space<vmem>>) semaphore(%arg20 : memref<!tpu.dma_semaphore, #tpu.memory_space<semaphore_mem>>) {add = true}
      %dma_wait3A_276 = arith.constant 0 : i32
      %dma_wait3A_277 = tpu.memref_slice %arg8[%add3A_259, %dma_wait3A_276] : memref<160x128xi32, #tpu.memory_space<vmem>> -> memref<1x128xi32, #tpu.memory_space<vmem>>
      %dma_wait3A_278 = tpu.memref_squeeze %dma_wait3A_277 : memref<1x128xi32, #tpu.memory_space<vmem>> -> memref<128xi32, #tpu.memory_space<vmem>>
      %dma_wait3A_279 = arith.constant 0 : i32
      %dma_wait3A_280 = arith.constant 0 : i32
      %dma_wait3A_281 = tpu.memref_slice %arg13[%dma_wait3A_279, %dma_wait3A_280] : memref<10240x128xbf16, #tpu.memory_space<vmem_shared>> -> memref<10240x128xbf16, #tpu.memory_space<vmem_shared>>
      tpu.wait_indirect_dma semaphore(%arg20 : memref<!tpu.dma_semaphore, #tpu.memory_space<semaphore_mem>>) src(%arg11 : memref<128x128xbf16, #tpu.memory_space<vmem>>) dst(%dma_wait3A_281 : memref<10240x128xbf16, #tpu.memory_space<vmem_shared>>)
      %add3A_282 = arith.constant 4 : i32
      %add3A_283 = arith.addi %add3A_259, %add3A_282 : i32
      %dma_start3A_284 = arith.constant 0 : i32
      %dma_start3A_285 = tpu.memref_slice %arg7[%add3A_283, %dma_start3A_284] : memref<160x128xi32, #tpu.memory_space<vmem>> -> memref<1x128xi32, #tpu.memory_space<vmem>>
      %dma_start3A_286 = tpu.memref_squeeze %dma_start3A_285 : memref<1x128xi32, #tpu.memory_space<vmem>> -> memref<128xi32, #tpu.memory_space<vmem>>
      %dma_start3A_287 = arith.constant 0 : i32
      %dma_start3A_288 = arith.constant 0 : i32
      %dma_start3A_289 = tpu.memref_slice %arg2[%arg0, %dma_start3A_287, %dma_start3A_288] : memref<2x10000x128xbf16, #tpu.memory_space<hbm>> -> memref<1x10000x128xbf16, #tpu.memory_space<hbm>>
      %dma_start3A_290 = tpu.memref_squeeze %dma_start3A_289 : memref<1x10000x128xbf16, #tpu.memory_space<hbm>> -> memref<10000x128xbf16, #tpu.memory_space<hbm>>
      %dma_start3A_291 = arith.constant 0 : i32
      %dma_start3A_292 = arith.constant 0 : i32
      %dma_start3A_293 = tpu.memref_slice %dma_start3A_290[%dma_start3A_291, %dma_start3A_292] : memref<10000x128xbf16, #tpu.memory_space<hbm>> -> memref<10000x128xbf16, #tpu.memory_space<hbm>>
      tpu.enqueue_indirect_dma source(%dma_start3A_293 : memref<10000x128xbf16, #tpu.memory_space<hbm>>) target(%arg11 : memref<128x128xbf16, #tpu.memory_space<vmem>>) offsets(%dma_start3A_286 : memref<128xi32, #tpu.memory_space<vmem>>) semaphore(%arg16 : memref<!tpu.dma_semaphore, #tpu.memory_space<semaphore_mem>>)
      %add3A_294 = arith.addi %select_n3A, %add3A_182 : i32
      %add3A_295 = arith.constant 3 : i32
      %add3A_296 = arith.addi %add3A_294, %add3A_295 : i32
      %dma_wait3A_297 = arith.constant 0 : i32
      %dma_wait3A_298 = tpu.memref_slice %arg7[%add3A_296, %dma_wait3A_297] : memref<160x128xi32, #tpu.memory_space<vmem>> -> memref<1x128xi32, #tpu.memory_space<vmem>>
      %dma_wait3A_299 = tpu.memref_squeeze %dma_wait3A_298 : memref<1x128xi32, #tpu.memory_space<vmem>> -> memref<128xi32, #tpu.memory_space<vmem>>
      %dma_wait3A_300 = arith.constant 0 : i32
      %dma_wait3A_301 = arith.constant 0 : i32
      %dma_wait3A_302 = tpu.memref_slice %arg2[%arg0, %dma_wait3A_300, %dma_wait3A_301] : memref<2x10000x128xbf16, #tpu.memory_space<hbm>> -> memref<1x10000x128xbf16, #tpu.memory_space<hbm>>
      %dma_wait3A_303 = tpu.memref_squeeze %dma_wait3A_302 : memref<1x10000x128xbf16, #tpu.memory_space<hbm>> -> memref<10000x128xbf16, #tpu.memory_space<hbm>>
      %dma_wait3A_304 = arith.constant 0 : i32
      %dma_wait3A_305 = arith.constant 0 : i32
      %dma_wait3A_306 = tpu.memref_slice %dma_wait3A_303[%dma_wait3A_304, %dma_wait3A_305] : memref<10000x128xbf16, #tpu.memory_space<hbm>> -> memref<10000x128xbf16, #tpu.memory_space<hbm>>
      tpu.wait_indirect_dma semaphore(%arg17 : memref<!tpu.dma_semaphore, #tpu.memory_space<semaphore_mem>>) src(%dma_wait3A_306 : memref<10000x128xbf16, #tpu.memory_space<hbm>>) dst(%arg12 : memref<128x128xbf16, #tpu.memory_space<vmem>>)
      %dma_start3A_307 = arith.constant 0 : i32
      %dma_start3A_308 = tpu.memref_slice %arg8[%add3A_296, %dma_start3A_307] : memref<160x128xi32, #tpu.memory_space<vmem>> -> memref<1x128xi32, #tpu.memory_space<vmem>>
      %dma_start3A_309 = tpu.memref_squeeze %dma_start3A_308 : memref<1x128xi32, #tpu.memory_space<vmem>> -> memref<128xi32, #tpu.memory_space<vmem>>
      %dma_start3A_310 = arith.constant 0 : i32
      %dma_start3A_311 = arith.constant 0 : i32
      %dma_start3A_312 = tpu.memref_slice %arg13[%dma_start3A_310, %dma_start3A_311] : memref<10240x128xbf16, #tpu.memory_space<vmem_shared>> -> memref<10240x128xbf16, #tpu.memory_space<vmem_shared>>
      tpu.enqueue_indirect_dma source(%arg12 : memref<128x128xbf16, #tpu.memory_space<vmem>>) target(%dma_start3A_312 : memref<10240x128xbf16, #tpu.memory_space<vmem_shared>>) offsets(%dma_start3A_309 : memref<128xi32, #tpu.memory_space<vmem>>) semaphore(%arg21 : memref<!tpu.dma_semaphore, #tpu.memory_space<semaphore_mem>>) {add = true}
      %dma_wait3A_313 = arith.constant 0 : i32
      %dma_wait3A_314 = tpu.memref_slice %arg8[%add3A_296, %dma_wait3A_313] : memref<160x128xi32, #tpu.memory_space<vmem>> -> memref<1x128xi32, #tpu.memory_space<vmem>>
      %dma_wait3A_315 = tpu.memref_squeeze %dma_wait3A_314 : memref<1x128xi32, #tpu.memory_space<vmem>> -> memref<128xi32, #tpu.memory_space<vmem>>
      %dma_wait3A_316 = arith.constant 0 : i32
      %dma_wait3A_317 = arith.constant 0 : i32
      %dma_wait3A_318 = tpu.memref_slice %arg13[%dma_wait3A_316, %dma_wait3A_317] : memref<10240x128xbf16, #tpu.memory_space<vmem_shared>> -> memref<10240x128xbf16, #tpu.memory_space<vmem_shared>>
      tpu.wait_indirect_dma semaphore(%arg21 : memref<!tpu.dma_semaphore, #tpu.memory_space<semaphore_mem>>) src(%arg12 : memref<128x128xbf16, #tpu.memory_space<vmem>>) dst(%dma_wait3A_318 : memref<10240x128xbf16, #tpu.memory_space<vmem_shared>>)
      %add3A_319 = arith.constant 4 : i32
      %add3A_320 = arith.addi %add3A_296, %add3A_319 : i32
      %dma_start3A_321 = arith.constant 0 : i32
      %dma_start3A_322 = tpu.memref_slice %arg7[%add3A_320, %dma_start3A_321] : memref<160x128xi32, #tpu.memory_space<vmem>> -> memref<1x128xi32, #tpu.memory_space<vmem>>
      %dma_start3A_323 = tpu.memref_squeeze %dma_start3A_322 : memref<1x128xi32, #tpu.memory_space<vmem>> -> memref<128xi32, #tpu.memory_space<vmem>>
      %dma_start3A_324 = arith.constant 0 : i32
      %dma_start3A_325 = arith.constant 0 : i32
      %dma_start3A_326 = tpu.memref_slice %arg2[%arg0, %dma_start3A_324, %dma_start3A_325] : memref<2x10000x128xbf16, #tpu.memory_space<hbm>> -> memref<1x10000x128xbf16, #tpu.memory_space<hbm>>
      %dma_start3A_327 = tpu.memref_squeeze %dma_start3A_326 : memref<1x10000x128xbf16, #tpu.memory_space<hbm>> -> memref<10000x128xbf16, #tpu.memory_space<hbm>>
      %dma_start3A_328 = arith.constant 0 : i32
      %dma_start3A_329 = arith.constant 0 : i32
      %dma_start3A_330 = tpu.memref_slice %dma_start3A_327[%dma_start3A_328, %dma_start3A_329] : memref<10000x128xbf16, #tpu.memory_space<hbm>> -> memref<10000x128xbf16, #tpu.memory_space<hbm>>
      tpu.enqueue_indirect_dma source(%dma_start3A_330 : memref<10000x128xbf16, #tpu.memory_space<hbm>>) target(%arg12 : memref<128x128xbf16, #tpu.memory_space<vmem>>) offsets(%dma_start3A_323 : memref<128xi32, #tpu.memory_space<vmem>>) semaphore(%arg17 : memref<!tpu.dma_semaphore, #tpu.memory_space<semaphore_mem>>)
    }
    %while3A_71 = arith.constant 1 : i32
    scf.for %while3A_180 = %while3A_69 to %while3A_65 step %while3A_71  : i32 {
      %mul3A_181 = arith.muli %while3A_180, %while3A : i32
      %add3A_182 = arith.addi %while3A_62, %mul3A_181 : i32
      %add3A_183 = arith.addi %select_n3A, %add3A_182 : i32
      %add3A_184 = arith.constant 0 : i32
      %add3A_185 = arith.addi %add3A_183, %add3A_184 : i32
      %dma_wait3A_186 = arith.constant 0 : i32
      %dma_wait3A_187 = tpu.memref_slice %arg7[%add3A_185, %dma_wait3A_186] : memref<160x128xi32, #tpu.memory_space<vmem>> -> memref<1x128xi32, #tpu.memory_space<vmem>>
      %dma_wait3A_188 = tpu.memref_squeeze %dma_wait3A_187 : memref<1x128xi32, #tpu.memory_space<vmem>> -> memref<128xi32, #tpu.memory_space<vmem>>
      %dma_wait3A_189 = arith.constant 0 : i32
      %dma_wait3A_190 = arith.constant 0 : i32
      %dma_wait3A_191 = tpu.memref_slice %arg2[%arg0, %dma_wait3A_189, %dma_wait3A_190] : memref<2x10000x128xbf16, #tpu.memory_space<hbm>> -> memref<1x10000x128xbf16, #tpu.memory_space<hbm>>
      %dma_wait3A_192 = tpu.memref_squeeze %dma_wait3A_191 : memref<1x10000x128xbf16, #tpu.memory_space<hbm>> -> memref<10000x128xbf16, #tpu.memory_space<hbm>>
      %dma_wait3A_193 = arith.constant 0 : i32
      %dma_wait3A_194 = arith.constant 0 : i32
      %dma_wait3A_195 = tpu.memref_slice %dma_wait3A_192[%dma_wait3A_193, %dma_wait3A_194] : memref<10000x128xbf16, #tpu.memory_space<hbm>> -> memref<10000x128xbf16, #tpu.memory_space<hbm>>
      tpu.wait_indirect_dma semaphore(%arg14 : memref<!tpu.dma_semaphore, #tpu.memory_space<semaphore_mem>>) src(%dma_wait3A_195 : memref<10000x128xbf16, #tpu.memory_space<hbm>>) dst(%arg9 : memref<128x128xbf16, #tpu.memory_space<vmem>>)
      %dma_start3A_196 = arith.constant 0 : i32
      %dma_start3A_197 = tpu.memref_slice %arg8[%add3A_185, %dma_start3A_196] : memref<160x128xi32, #tpu.memory_space<vmem>> -> memref<1x128xi32, #tpu.memory_space<vmem>>
      %dma_start3A_198 = tpu.memref_squeeze %dma_start3A_197 : memref<1x128xi32, #tpu.memory_space<vmem>> -> memref<128xi32, #tpu.memory_space<vmem>>
      %dma_start3A_199 = arith.constant 0 : i32
      %dma_start3A_200 = arith.constant 0 : i32
      %dma_start3A_201 = tpu.memref_slice %arg13[%dma_start3A_199, %dma_start3A_200] : memref<10240x128xbf16, #tpu.memory_space<vmem_shared>> -> memref<10240x128xbf16, #tpu.memory_space<vmem_shared>>
      tpu.enqueue_indirect_dma source(%arg9 : memref<128x128xbf16, #tpu.memory_space<vmem>>) target(%dma_start3A_201 : memref<10240x128xbf16, #tpu.memory_space<vmem_shared>>) offsets(%dma_start3A_198 : memref<128xi32, #tpu.memory_space<vmem>>) semaphore(%arg18 : memref<!tpu.dma_semaphore, #tpu.memory_space<semaphore_mem>>) {add = true}
      %dma_wait3A_202 = arith.constant 0 : i32
      %dma_wait3A_203 = tpu.memref_slice %arg8[%add3A_185, %dma_wait3A_202] : memref<160x128xi32, #tpu.memory_space<vmem>> -> memref<1x128xi32, #tpu.memory_space<vmem>>
      %dma_wait3A_204 = tpu.memref_squeeze %dma_wait3A_203 : memref<1x128xi32, #tpu.memory_space<vmem>> -> memref<128xi32, #tpu.memory_space<vmem>>
      %dma_wait3A_205 = arith.constant 0 : i32
      %dma_wait3A_206 = arith.constant 0 : i32
      %dma_wait3A_207 = tpu.memref_slice %arg13[%dma_wait3A_205, %dma_wait3A_206] : memref<10240x128xbf16, #tpu.memory_space<vmem_shared>> -> memref<10240x128xbf16, #tpu.memory_space<vmem_shared>>
      tpu.wait_indirect_dma semaphore(%arg18 : memref<!tpu.dma_semaphore, #tpu.memory_space<semaphore_mem>>) src(%arg9 : memref<128x128xbf16, #tpu.memory_space<vmem>>) dst(%dma_wait3A_207 : memref<10240x128xbf16, #tpu.memory_space<vmem_shared>>)
      %add3A_208 = arith.constant 4 : i32
      %add3A_209 = arith.addi %add3A_185, %add3A_208 : i32
      %dma_start3A_210 = arith.constant 0 : i32
      %dma_start3A_211 = tpu.memref_slice %arg7[%add3A_209, %dma_start3A_210] : memref<160x128xi32, #tpu.memory_space<vmem>> -> memref<1x128xi32, #tpu.memory_space<vmem>>
      %dma_start3A_212 = tpu.memref_squeeze %dma_start3A_211 : memref<1x128xi32, #tpu.memory_space<vmem>> -> memref<128xi32, #tpu.memory_space<vmem>>
      %dma_start3A_213 = arith.constant 0 : i32
      %dma_start3A_214 = arith.constant 0 : i32
      %dma_start3A_215 = tpu.memref_slice %arg2[%arg0, %dma_start3A_213, %dma_start3A_214] : memref<2x10000x128xbf16, #tpu.memory_space<hbm>> -> memref<1x10000x128xbf16, #tpu.memory_space<hbm>>
      %dma_start3A_216 = tpu.memref_squeeze %dma_start3A_215 : memref<1x10000x128xbf16, #tpu.memory_space<hbm>> -> memref<10000x128xbf16, #tpu.memory_space<hbm>>
      %dma_start3A_217 = arith.constant 0 : i32
      %dma_start3A_218 = arith.constant 0 : i32
      %dma_start3A_219 = tpu.memref_slice %dma_start3A_216[%dma_start3A_217, %dma_start3A_218] : memref<10000x128xbf16, #tpu.memory_space<hbm>> -> memref<10000x128xbf16, #tpu.memory_space<hbm>>
      tpu.enqueue_indirect_dma source(%dma_start3A_219 : memref<10000x128xbf16, #tpu.memory_space<hbm>>) target(%arg9 : memref<128x128xbf16, #tpu.memory_space<vmem>>) offsets(%dma_start3A_212 : memref<128xi32, #tpu.memory_space<vmem>>) semaphore(%arg14 : memref<!tpu.dma_semaphore, #tpu.memory_space<semaphore_mem>>)
      %add3A_220 = arith.addi %select_n3A, %add3A_182 : i32
      %add3A_221 = arith.constant 1 : i32
      %add3A_222 = arith.addi %add3A_220, %add3A_221 : i32
      %dma_wait3A_223 = arith.constant 0 : i32
      %dma_wait3A_224 = tpu.memref_slice %arg7[%add3A_222, %dma_wait3A_223] : memref<160x128xi32, #tpu.memory_space<vmem>> -> memref<1x128xi32, #tpu.memory_space<vmem>>
      %dma_wait3A_225 = tpu.memref_squeeze %dma_wait3A_224 : memref<1x128xi32, #tpu.memory_space<vmem>> -> memref<128xi32, #tpu.memory_space<vmem>>
      %dma_wait3A_226 = arith.constant 0 : i32
      %dma_wait3A_227 = arith.constant 0 : i32
      %dma_wait3A_228 = tpu.memref_slice %arg2[%arg0, %dma_wait3A_226, %dma_wait3A_227] : memref<2x10000x128xbf16, #tpu.memory_space<hbm>> -> memref<1x10000x128xbf16, #tpu.memory_space<hbm>>
      %dma_wait3A_229 = tpu.memref_squeeze %dma_wait3A_228 : memref<1x10000x128xbf16, #tpu.memory_space<hbm>> -> memref<10000x128xbf16, #tpu.memory_space<hbm>>
      %dma_wait3A_230 = arith.constant 0 : i32
      %dma_wait3A_231 = arith.constant 0 : i32
      %dma_wait3A_232 = tpu.memref_slice %dma_wait3A_229[%dma_wait3A_230, %dma_wait3A_231] : memref<10000x128xbf16, #tpu.memory_space<hbm>> -> memref<10000x128xbf16, #tpu.memory_space<hbm>>
      tpu.wait_indirect_dma semaphore(%arg15 : memref<!tpu.dma_semaphore, #tpu.memory_space<semaphore_mem>>) src(%dma_wait3A_232 : memref<10000x128xbf16, #tpu.memory_space<hbm>>) dst(%arg10 : memref<128x128xbf16, #tpu.memory_space<vmem>>)
      %dma_start3A_233 = arith.constant 0 : i32
      %dma_start3A_234 = tpu.memref_slice %arg8[%add3A_222, %dma_start3A_233] : memref<160x128xi32, #tpu.memory_space<vmem>> -> memref<1x128xi32, #tpu.memory_space<vmem>>
      %dma_start3A_235 = tpu.memref_squeeze %dma_start3A_234 : memref<1x128xi32, #tpu.memory_space<vmem>> -> memref<128xi32, #tpu.memory_space<vmem>>
      %dma_start3A_236 = arith.constant 0 : i32
      %dma_start3A_237 = arith.constant 0 : i32
      %dma_start3A_238 = tpu.memref_slice %arg13[%dma_start3A_236, %dma_start3A_237] : memref<10240x128xbf16, #tpu.memory_space<vmem_shared>> -> memref<10240x128xbf16, #tpu.memory_space<vmem_shared>>
      tpu.enqueue_indirect_dma source(%arg10 : memref<128x128xbf16, #tpu.memory_space<vmem>>) target(%dma_start3A_238 : memref<10240x128xbf16, #tpu.memory_space<vmem_shared>>) offsets(%dma_start3A_235 : memref<128xi32, #tpu.memory_space<vmem>>) semaphore(%arg19 : memref<!tpu.dma_semaphore, #tpu.memory_space<semaphore_mem>>) {add = true}
      %dma_wait3A_239 = arith.constant 0 : i32
      %dma_wait3A_240 = tpu.memref_slice %arg8[%add3A_222, %dma_wait3A_239] : memref<160x128xi32, #tpu.memory_space<vmem>> -> memref<1x128xi32, #tpu.memory_space<vmem>>
      %dma_wait3A_241 = tpu.memref_squeeze %dma_wait3A_240 : memref<1x128xi32, #tpu.memory_space<vmem>> -> memref<128xi32, #tpu.memory_space<vmem>>
      %dma_wait3A_242 = arith.constant 0 : i32
      %dma_wait3A_243 = arith.constant 0 : i32
      %dma_wait3A_244 = tpu.memref_slice %arg13[%dma_wait3A_242, %dma_wait3A_243] : memref<10240x128xbf16, #tpu.memory_space<vmem_shared>> -> memref<10240x128xbf16, #tpu.memory_space<vmem_shared>>
      tpu.wait_indirect_dma semaphore(%arg19 : memref<!tpu.dma_semaphore, #tpu.memory_space<semaphore_mem>>) src(%arg10 : memref<128x128xbf16, #tpu.memory_space<vmem>>) dst(%dma_wait3A_244 : memref<10240x128xbf16, #tpu.memory_space<vmem_shared>>)
      %add3A_245 = arith.constant 4 : i32
      %add3A_246 = arith.addi %add3A_222, %add3A_245 : i32
      %dma_start3A_247 = arith.constant 0 : i32
      %dma_start3A_248 = tpu.memref_slice %arg7[%add3A_246, %dma_start3A_247] : memref<160x128xi32, #tpu.memory_space<vmem>> -> memref<1x128xi32, #tpu.memory_space<vmem>>
      %dma_start3A_249 = tpu.memref_squeeze %dma_start3A_248 : memref<1x128xi32, #tpu.memory_space<vmem>> -> memref<128xi32, #tpu.memory_space<vmem>>
      %dma_start3A_250 = arith.constant 0 : i32
      %dma_start3A_251 = arith.constant 0 : i32
      %dma_start3A_252 = tpu.memref_slice %arg2[%arg0, %dma_start3A_250, %dma_start3A_251] : memref<2x10000x128xbf16, #tpu.memory_space<hbm>> -> memref<1x10000x128xbf16, #tpu.memory_space<hbm>>
      %dma_start3A_253 = tpu.memref_squeeze %dma_start3A_252 : memref<1x10000x128xbf16, #tpu.memory_space<hbm>> -> memref<10000x128xbf16, #tpu.memory_space<hbm>>
      %dma_start3A_254 = arith.constant 0 : i32
      %dma_start3A_255 = arith.constant 0 : i32
      %dma_start3A_256 = tpu.memref_slice %dma_start3A_253[%dma_start3A_254, %dma_start3A_255] : memref<10000x128xbf16, #tpu.memory_space<hbm>> -> memref<10000x128xbf16, #tpu.memory_space<hbm>>
      tpu.enqueue_indirect_dma source(%dma_start3A_256 : memref<10000x128xbf16, #tpu.memory_space<hbm>>) target(%arg10 : memref<128x128xbf16, #tpu.memory_space<vmem>>) offsets(%dma_start3A_249 : memref<128xi32, #tpu.memory_space<vmem>>) semaphore(%arg15 : memref<!tpu.dma_semaphore, #tpu.memory_space<semaphore_mem>>)
      %add3A_257 = arith.addi %select_n3A, %add3A_182 : i32
      %add3A_258 = arith.constant 2 : i32
      %add3A_259 = arith.addi %add3A_257, %add3A_258 : i32
      %dma_wait3A_260 = arith.constant 0 : i32
      %dma_wait3A_261 = tpu.memref_slice %arg7[%add3A_259, %dma_wait3A_260] : memref<160x128xi32, #tpu.memory_space<vmem>> -> memref<1x128xi32, #tpu.memory_space<vmem>>
      %dma_wait3A_262 = tpu.memref_squeeze %dma_wait3A_261 : memref<1x128xi32, #tpu.memory_space<vmem>> -> memref<128xi32, #tpu.memory_space<vmem>>
      %dma_wait3A_263 = arith.constant 0 : i32
      %dma_wait3A_264 = arith.constant 0 : i32
      %dma_wait3A_265 = tpu.memref_slice %arg2[%arg0, %dma_wait3A_263, %dma_wait3A_264] : memref<2x10000x128xbf16, #tpu.memory_space<hbm>> -> memref<1x10000x128xbf16, #tpu.memory_space<hbm>>
      %dma_wait3A_266 = tpu.memref_squeeze %dma_wait3A_265 : memref<1x10000x128xbf16, #tpu.memory_space<hbm>> -> memref<10000x128xbf16, #tpu.memory_space<hbm>>
      %dma_wait3A_267 = arith.constant 0 : i32
      %dma_wait3A_268 = arith.constant 0 : i32
      %dma_wait3A_269 = tpu.memref_slice %dma_wait3A_266[%dma_wait3A_267, %dma_wait3A_268] : memref<10000x128xbf16, #tpu.memory_space<hbm>> -> memref<10000x128xbf16, #tpu.memory_space<hbm>>
      tpu.wait_indirect_dma semaphore(%arg16 : memref<!tpu.dma_semaphore, #tpu.memory_space<semaphore_mem>>) src(%dma_wait3A_269 : memref<10000x128xbf16, #tpu.memory_space<hbm>>) dst(%arg11 : memref<128x128xbf16, #tpu.memory_space<vmem>>)
      %dma_start3A_270 = arith.constant 0 : i32
      %dma_start3A_271 = tpu.memref_slice %arg8[%add3A_259, %dma_start3A_270] : memref<160x128xi32, #tpu.memory_space<vmem>> -> memref<1x128xi32, #tpu.memory_space<vmem>>
      %dma_start3A_272 = tpu.memref_squeeze %dma_start3A_271 : memref<1x128xi32, #tpu.memory_space<vmem>> -> memref<128xi32, #tpu.memory_space<vmem>>
      %dma_start3A_273 = arith.constant 0 : i32
      %dma_start3A_274 = arith.constant 0 : i32
      %dma_start3A_275 = tpu.memref_slice %arg13[%dma_start3A_273, %dma_start3A_274] : memref<10240x128xbf16, #tpu.memory_space<vmem_shared>> -> memref<10240x128xbf16, #tpu.memory_space<vmem_shared>>
      tpu.enqueue_indirect_dma source(%arg11 : memref<128x128xbf16, #tpu.memory_space<vmem>>) target(%dma_start3A_275 : memref<10240x128xbf16, #tpu.memory_space<vmem_shared>>) offsets(%dma_start3A_272 : memref<128xi32, #tpu.memory_space<vmem>>) semaphore(%arg20 : memref<!tpu.dma_semaphore, #tpu.memory_space<semaphore_mem>>) {add = true}
      %dma_wait3A_276 = arith.constant 0 : i32
      %dma_wait3A_277 = tpu.memref_slice %arg8[%add3A_259, %dma_wait3A_276] : memref<160x128xi32, #tpu.memory_space<vmem>> -> memref<1x128xi32, #tpu.memory_space<vmem>>
      %dma_wait3A_278 = tpu.memref_squeeze %dma_wait3A_277 : memref<1x128xi32, #tpu.memory_space<vmem>> -> memref<128xi32, #tpu.memory_space<vmem>>
      %dma_wait3A_279 = arith.constant 0 : i32
      %dma_wait3A_280 = arith.constant 0 : i32
      %dma_wait3A_281 = tpu.memref_slice %arg13[%dma_wait3A_279, %dma_wait3A_280] : memref<10240x128xbf16, #tpu.memory_space<vmem_shared>> -> memref<10240x128xbf16, #tpu.memory_space<vmem_shared>>
      tpu.wait_indirect_dma semaphore(%arg20 : memref<!tpu.dma_semaphore, #tpu.memory_space<semaphore_mem>>) src(%arg11 : memref<128x128xbf16, #tpu.memory_space<vmem>>) dst(%dma_wait3A_281 : memref<10240x128xbf16, #tpu.memory_space<vmem_shared>>)
      %add3A_282 = arith.constant 4 : i32
      %add3A_283 = arith.addi %add3A_259, %add3A_282 : i32
      %dma_start3A_284 = arith.constant 0 : i32
      %dma_start3A_285 = tpu.memref_slice %arg7[%add3A_283, %dma_start3A_284] : memref<160x128xi32, #tpu.memory_space<vmem>> -> memref<1x128xi32, #tpu.memory_space<vmem>>
      %dma_start3A_286 = tpu.memref_squeeze %dma_start3A_285 : memref<1x128xi32, #tpu.memory_space<vmem>> -> memref<128xi32, #tpu.memory_space<vmem>>
      %dma_start3A_287 = arith.constant 0 : i32
      %dma_start3A_288 = arith.constant 0 : i32
      %dma_start3A_289 = tpu.memref_slice %arg2[%arg0, %dma_start3A_287, %dma_start3A_288] : memref<2x10000x128xbf16, #tpu.memory_space<hbm>> -> memref<1x10000x128xbf16, #tpu.memory_space<hbm>>
      %dma_start3A_290 = tpu.memref_squeeze %dma_start3A_289 : memref<1x10000x128xbf16, #tpu.memory_space<hbm>> -> memref<10000x128xbf16, #tpu.memory_space<hbm>>
      %dma_start3A_291 = arith.constant 0 : i32
      %dma_start3A_292 = arith.constant 0 : i32
      %dma_start3A_293 = tpu.memref_slice %dma_start3A_290[%dma_start3A_291, %dma_start3A_292] : memref<10000x128xbf16, #tpu.memory_space<hbm>> -> memref<10000x128xbf16, #tpu.memory_space<hbm>>
      tpu.enqueue_indirect_dma source(%dma_start3A_293 : memref<10000x128xbf16, #tpu.memory_space<hbm>>) target(%arg11 : memref<128x128xbf16, #tpu.memory_space<vmem>>) offsets(%dma_start3A_286 : memref<128xi32, #tpu.memory_space<vmem>>) semaphore(%arg16 : memref<!tpu.dma_semaphore, #tpu.memory_space<semaphore_mem>>)
      %add3A_294 = arith.addi %select_n3A, %add3A_182 : i32
      %add3A_295 = arith.constant 3 : i32
      %add3A_296 = arith.addi %add3A_294, %add3A_295 : i32
      %dma_wait3A_297 = arith.constant 0 : i32
      %dma_wait3A_298 = tpu.memref_slice %arg7[%add3A_296, %dma_wait3A_297] : memref<160x128xi32, #tpu.memory_space<vmem>> -> memref<1x128xi32, #tpu.memory_space<vmem>>
      %dma_wait3A_299 = tpu.memref_squeeze %dma_wait3A_298 : memref<1x128xi32, #tpu.memory_space<vmem>> -> memref<128xi32, #tpu.memory_space<vmem>>
      %dma_wait3A_300 = arith.constant 0 : i32
      %dma_wait3A_301 = arith.constant 0 : i32
      %dma_wait3A_302 = tpu.memref_slice %arg2[%arg0, %dma_wait3A_300, %dma_wait3A_301] : memref<2x10000x128xbf16, #tpu.memory_space<hbm>> -> memref<1x10000x128xbf16, #tpu.memory_space<hbm>>
      %dma_wait3A_303 = tpu.memref_squeeze %dma_wait3A_302 : memref<1x10000x128xbf16, #tpu.memory_space<hbm>> -> memref<10000x128xbf16, #tpu.memory_space<hbm>>
      %dma_wait3A_304 = arith.constant 0 : i32
      %dma_wait3A_305 = arith.constant 0 : i32
      %dma_wait3A_306 = tpu.memref_slice %dma_wait3A_303[%dma_wait3A_304, %dma_wait3A_305] : memref<10000x128xbf16, #tpu.memory_space<hbm>> -> memref<10000x128xbf16, #tpu.memory_space<hbm>>
      tpu.wait_indirect_dma semaphore(%arg17 : memref<!tpu.dma_semaphore, #tpu.memory_space<semaphore_mem>>) src(%dma_wait3A_306 : memref<10000x128xbf16, #tpu.memory_space<hbm>>) dst(%arg12 : memref<128x128xbf16, #tpu.memory_space<vmem>>)
      %dma_start3A_307 = arith.constant 0 : i32
      %dma_start3A_308 = tpu.memref_slice %arg8[%add3A_296, %dma_start3A_307] : memref<160x128xi32, #tpu.memory_space<vmem>> -> memref<1x128xi32, #tpu.memory_space<vmem>>
      %dma_start3A_309 = tpu.memref_squeeze %dma_start3A_308 : memref<1x128xi32, #tpu.memory_space<vmem>> -> memref<128xi32, #tpu.memory_space<vmem>>
      %dma_start3A_310 = arith.constant 0 : i32
      %dma_start3A_311 = arith.constant 0 : i32
      %dma_start3A_312 = tpu.memref_slice %arg13[%dma_start3A_310, %dma_start3A_311] : memref<10240x128xbf16, #tpu.memory_space<vmem_shared>> -> memref<10240x128xbf16, #tpu.memory_space<vmem_shared>>
      tpu.enqueue_indirect_dma source(%arg12 : memref<128x128xbf16, #tpu.memory_space<vmem>>) target(%dma_start3A_312 : memref<10240x128xbf16, #tpu.memory_space<vmem_shared>>) offsets(%dma_start3A_309 : memref<128xi32, #tpu.memory_space<vmem>>) semaphore(%arg21 : memref<!tpu.dma_semaphore, #tpu.memory_space<semaphore_mem>>) {add = true}
      %dma_wait3A_313 = arith.constant 0 : i32
      %dma_wait3A_314 = tpu.memref_slice %arg8[%add3A_296, %dma_wait3A_313] : memref<160x128xi32, #tpu.memory_space<vmem>> -> memref<1x128xi32, #tpu.memory_space<vmem>>
      %dma_wait3A_315 = tpu.memref_squeeze %dma_wait3A_314 : memref<1x128xi32, #tpu.memory_space<vmem>> -> memref<128xi32, #tpu.memory_space<vmem>>
      %dma_wait3A_316 = arith.constant 0 : i32
      %dma_wait3A_317 = arith.constant 0 : i32
      %dma_wait3A_318 = tpu.memref_slice %arg13[%dma_wait3A_316, %dma_wait3A_317] : memref<10240x128xbf16, #tpu.memory_space<vmem_shared>> -> memref<10240x128xbf16, #tpu.memory_space<vmem_shared>>
      tpu.wait_indirect_dma semaphore(%arg21 : memref<!tpu.dma_semaphore, #tpu.memory_space<semaphore_mem>>) src(%arg12 : memref<128x128xbf16, #tpu.memory_space<vmem>>) dst(%dma_wait3A_318 : memref<10240x128xbf16, #tpu.memory_space<vmem_shared>>)
      %add3A_319 = arith.constant 4 : i32
      %add3A_320 = arith.addi %add3A_296, %add3A_319 : i32
      %dma_start3A_321 = arith.constant 0 : i32
      %dma_start3A_322 = tpu.memref_slice %arg7[%add3A_320, %dma_start3A_321] : memref<160x128xi32, #tpu.memory_space<vmem>> -> memref<1x128xi32, #tpu.memory_space<vmem>>
      %dma_start3A_323 = tpu.memref_squeeze %dma_start3A_322 : memref<1x128xi32, #tpu.memory_space<vmem>> -> memref<128xi32, #tpu.memory_space<vmem>>
      %dma_start3A_324 = arith.constant 0 : i32
      %dma_start3A_325 = arith.constant 0 : i32
      %dma_start3A_326 = tpu.memref_slice %arg2[%arg0, %dma_start3A_324, %dma_start3A_325] : memref<2x10000x128xbf16, #tpu.memory_space<hbm>> -> memref<1x10000x128xbf16, #tpu.memory_space<hbm>>
      %dma_start3A_327 = tpu.memref_squeeze %dma_start3A_326 : memref<1x10000x128xbf16, #tpu.memory_space<hbm>> -> memref<10000x128xbf16, #tpu.memory_space<hbm>>
      %dma_start3A_328 = arith.constant 0 : i32
      %dma_start3A_329 = arith.constant 0 : i32
      %dma_start3A_330 = tpu.memref_slice %dma_start3A_327[%dma_start3A_328, %dma_start3A_329] : memref<10000x128xbf16, #tpu.memory_space<hbm>> -> memref<10000x128xbf16, #tpu.memory_space<hbm>>
      tpu.enqueue_indirect_dma source(%dma_start3A_330 : memref<10000x128xbf16, #tpu.memory_space<hbm>>) target(%arg12 : memref<128x128xbf16, #tpu.memory_space<vmem>>) offsets(%dma_start3A_323 : memref<128xi32, #tpu.memory_space<vmem>>) semaphore(%arg17 : memref<!tpu.dma_semaphore, #tpu.memory_space<semaphore_mem>>)
    }
    %add3A_72 = arith.addi %select_n3A, %select_n3A_6 : i32
    %sub3A_73 = arith.constant 4 : i32
    %sub3A_74 = arith.subi %add3A_72, %sub3A_73 : i32
    %add3A_75 = arith.constant 0 : i32
    %add3A_76 = arith.addi %sub3A_74, %add3A_75 : i32
    %dma_wait3A = arith.constant 0 : i32
    %dma_wait3A_77 = tpu.memref_slice %arg7[%add3A_76, %dma_wait3A] : memref<160x128xi32, #tpu.memory_space<vmem>> -> memref<1x128xi32, #tpu.memory_space<vmem>>
    %dma_wait3A_78 = tpu.memref_squeeze %dma_wait3A_77 : memref<1x128xi32, #tpu.memory_space<vmem>> -> memref<128xi32, #tpu.memory_space<vmem>>
    %dma_wait3A_79 = arith.constant 0 : i32
    %dma_wait3A_80 = arith.constant 0 : i32
    %dma_wait3A_81 = tpu.memref_slice %arg2[%arg0, %dma_wait3A_79, %dma_wait3A_80] : memref<2x10000x128xbf16, #tpu.memory_space<hbm>> -> memref<1x10000x128xbf16, #tpu.memory_space<hbm>>
    %dma_wait3A_82 = tpu.memref_squeeze %dma_wait3A_81 : memref<1x10000x128xbf16, #tpu.memory_space<hbm>> -> memref<10000x128xbf16, #tpu.memory_space<hbm>>
    %dma_wait3A_83 = arith.constant 0 : i32
    %dma_wait3A_84 = arith.constant 0 : i32
    %dma_wait3A_85 = tpu.memref_slice %dma_wait3A_82[%dma_wait3A_83, %dma_wait3A_84] : memref<10000x128xbf16, #tpu.memory_space<hbm>> -> memref<10000x128xbf16, #tpu.memory_space<hbm>>
    tpu.wait_indirect_dma semaphore(%arg14 : memref<!tpu.dma_semaphore, #tpu.memory_space<semaphore_mem>>) src(%dma_wait3A_85 : memref<10000x128xbf16, #tpu.memory_space<hbm>>) dst(%arg9 : memref<128x128xbf16, #tpu.memory_space<vmem>>)
    %dma_start3A_86 = arith.constant 0 : i32
    %dma_start3A_87 = tpu.memref_slice %arg8[%add3A_76, %dma_start3A_86] : memref<160x128xi32, #tpu.memory_space<vmem>> -> memref<1x128xi32, #tpu.memory_space<vmem>>
    %dma_start3A_88 = tpu.memref_squeeze %dma_start3A_87 : memref<1x128xi32, #tpu.memory_space<vmem>> -> memref<128xi32, #tpu.memory_space<vmem>>
    %dma_start3A_89 = arith.constant 0 : i32
    %dma_start3A_90 = arith.constant 0 : i32
    %dma_start3A_91 = tpu.memref_slice %arg13[%dma_start3A_89, %dma_start3A_90] : memref<10240x128xbf16, #tpu.memory_space<vmem_shared>> -> memref<10240x128xbf16, #tpu.memory_space<vmem_shared>>
    tpu.enqueue_indirect_dma source(%arg9 : memref<128x128xbf16, #tpu.memory_space<vmem>>) target(%dma_start3A_91 : memref<10240x128xbf16, #tpu.memory_space<vmem_shared>>) offsets(%dma_start3A_88 : memref<128xi32, #tpu.memory_space<vmem>>) semaphore(%arg18 : memref<!tpu.dma_semaphore, #tpu.memory_space<semaphore_mem>>) {add = true}
    %dma_wait3A_92 = arith.constant 0 : i32
    %dma_wait3A_93 = tpu.memref_slice %arg8[%add3A_76, %dma_wait3A_92] : memref<160x128xi32, #tpu.memory_space<vmem>> -> memref<1x128xi32, #tpu.memory_space<vmem>>
    %dma_wait3A_94 = tpu.memref_squeeze %dma_wait3A_93 : memref<1x128xi32, #tpu.memory_space<vmem>> -> memref<128xi32, #tpu.memory_space<vmem>>
    %dma_wait3A_95 = arith.constant 0 : i32
    %dma_wait3A_96 = arith.constant 0 : i32
    %dma_wait3A_97 = tpu.memref_slice %arg13[%dma_wait3A_95, %dma_wait3A_96] : memref<10240x128xbf16, #tpu.memory_space<vmem_shared>> -> memref<10240x128xbf16, #tpu.memory_space<vmem_shared>>
    tpu.wait_indirect_dma semaphore(%arg18 : memref<!tpu.dma_semaphore, #tpu.memory_space<semaphore_mem>>) src(%arg9 : memref<128x128xbf16, #tpu.memory_space<vmem>>) dst(%dma_wait3A_97 : memref<10240x128xbf16, #tpu.memory_space<vmem_shared>>)
    %add3A_98 = arith.addi %select_n3A, %select_n3A_6 : i32
    %sub3A_99 = arith.constant 4 : i32
    %sub3A_100 = arith.subi %add3A_98, %sub3A_99 : i32
    %add3A_101 = arith.constant 1 : i32
    %add3A_102 = arith.addi %sub3A_100, %add3A_101 : i32
    %dma_wait3A_103 = arith.constant 0 : i32
    %dma_wait3A_104 = tpu.memref_slice %arg7[%add3A_102, %dma_wait3A_103] : memref<160x128xi32, #tpu.memory_space<vmem>> -> memref<1x128xi32, #tpu.memory_space<vmem>>
    %dma_wait3A_105 = tpu.memref_squeeze %dma_wait3A_104 : memref<1x128xi32, #tpu.memory_space<vmem>> -> memref<128xi32, #tpu.memory_space<vmem>>
    %dma_wait3A_106 = arith.constant 0 : i32
    %dma_wait3A_107 = arith.constant 0 : i32
    %dma_wait3A_108 = tpu.memref_slice %arg2[%arg0, %dma_wait3A_106, %dma_wait3A_107] : memref<2x10000x128xbf16, #tpu.memory_space<hbm>> -> memref<1x10000x128xbf16, #tpu.memory_space<hbm>>
    %dma_wait3A_109 = tpu.memref_squeeze %dma_wait3A_108 : memref<1x10000x128xbf16, #tpu.memory_space<hbm>> -> memref<10000x128xbf16, #tpu.memory_space<hbm>>
    %dma_wait3A_110 = arith.constant 0 : i32
    %dma_wait3A_111 = arith.constant 0 : i32
    %dma_wait3A_112 = tpu.memref_slice %dma_wait3A_109[%dma_wait3A_110, %dma_wait3A_111] : memref<10000x128xbf16, #tpu.memory_space<hbm>> -> memref<10000x128xbf16, #tpu.memory_space<hbm>>
    tpu.wait_indirect_dma semaphore(%arg15 : memref<!tpu.dma_semaphore, #tpu.memory_space<semaphore_mem>>) src(%dma_wait3A_112 : memref<10000x128xbf16, #tpu.memory_space<hbm>>) dst(%arg10 : memref<128x128xbf16, #tpu.memory_space<vmem>>)
    %dma_start3A_113 = arith.constant 0 : i32
    %dma_start3A_114 = tpu.memref_slice %arg8[%add3A_102, %dma_start3A_113] : memref<160x128xi32, #tpu.memory_space<vmem>> -> memref<1x128xi32, #tpu.memory_space<vmem>>
    %dma_start3A_115 = tpu.memref_squeeze %dma_start3A_114 : memref<1x128xi32, #tpu.memory_space<vmem>> -> memref<128xi32, #tpu.memory_space<vmem>>
    %dma_start3A_116 = arith.constant 0 : i32
    %dma_start3A_117 = arith.constant 0 : i32
    %dma_start3A_118 = tpu.memref_slice %arg13[%dma_start3A_116, %dma_start3A_117] : memref<10240x128xbf16, #tpu.memory_space<vmem_shared>> -> memref<10240x128xbf16, #tpu.memory_space<vmem_shared>>
    tpu.enqueue_indirect_dma source(%arg10 : memref<128x128xbf16, #tpu.memory_space<vmem>>) target(%dma_start3A_118 : memref<10240x128xbf16, #tpu.memory_space<vmem_shared>>) offsets(%dma_start3A_115 : memref<128xi32, #tpu.memory_space<vmem>>) semaphore(%arg19 : memref<!tpu.dma_semaphore, #tpu.memory_space<semaphore_mem>>) {add = true}
    %dma_wait3A_119 = arith.constant 0 : i32
    %dma_wait3A_120 = tpu.memref_slice %arg8[%add3A_102, %dma_wait3A_119] : memref<160x128xi32, #tpu.memory_space<vmem>> -> memref<1x128xi32, #tpu.memory_space<vmem>>
    %dma_wait3A_121 = tpu.memref_squeeze %dma_wait3A_120 : memref<1x128xi32, #tpu.memory_space<vmem>> -> memref<128xi32, #tpu.memory_space<vmem>>
    %dma_wait3A_122 = arith.constant 0 : i32
    %dma_wait3A_123 = arith.constant 0 : i32
    %dma_wait3A_124 = tpu.memref_slice %arg13[%dma_wait3A_122, %dma_wait3A_123] : memref<10240x128xbf16, #tpu.memory_space<vmem_shared>> -> memref<10240x128xbf16, #tpu.memory_space<vmem_shared>>
    tpu.wait_indirect_dma semaphore(%arg19 : memref<!tpu.dma_semaphore, #tpu.memory_space<semaphore_mem>>) src(%arg10 : memref<128x128xbf16, #tpu.memory_space<vmem>>) dst(%dma_wait3A_124 : memref<10240x128xbf16, #tpu.memory_space<vmem_shared>>)
    %add3A_125 = arith.addi %select_n3A, %select_n3A_6 : i32
    %sub3A_126 = arith.constant 4 : i32
    %sub3A_127 = arith.subi %add3A_125, %sub3A_126 : i32
    %add3A_128 = arith.constant 2 : i32
    %add3A_129 = arith.addi %sub3A_127, %add3A_128 : i32
    %dma_wait3A_130 = arith.constant 0 : i32
    %dma_wait3A_131 = tpu.memref_slice %arg7[%add3A_129, %dma_wait3A_130] : memref<160x128xi32, #tpu.memory_space<vmem>> -> memref<1x128xi32, #tpu.memory_space<vmem>>
    %dma_wait3A_132 = tpu.memref_squeeze %dma_wait3A_131 : memref<1x128xi32, #tpu.memory_space<vmem>> -> memref<128xi32, #tpu.memory_space<vmem>>
    %dma_wait3A_133 = arith.constant 0 : i32
    %dma_wait3A_134 = arith.constant 0 : i32
    %dma_wait3A_135 = tpu.memref_slice %arg2[%arg0, %dma_wait3A_133, %dma_wait3A_134] : memref<2x10000x128xbf16, #tpu.memory_space<hbm>> -> memref<1x10000x128xbf16, #tpu.memory_space<hbm>>
    %dma_wait3A_136 = tpu.memref_squeeze %dma_wait3A_135 : memref<1x10000x128xbf16, #tpu.memory_space<hbm>> -> memref<10000x128xbf16, #tpu.memory_space<hbm>>
    %dma_wait3A_137 = arith.constant 0 : i32
    %dma_wait3A_138 = arith.constant 0 : i32
    %dma_wait3A_139 = tpu.memref_slice %dma_wait3A_136[%dma_wait3A_137, %dma_wait3A_138] : memref<10000x128xbf16, #tpu.memory_space<hbm>> -> memref<10000x128xbf16, #tpu.memory_space<hbm>>
    tpu.wait_indirect_dma semaphore(%arg16 : memref<!tpu.dma_semaphore, #tpu.memory_space<semaphore_mem>>) src(%dma_wait3A_139 : memref<10000x128xbf16, #tpu.memory_space<hbm>>) dst(%arg11 : memref<128x128xbf16, #tpu.memory_space<vmem>>)
    %dma_start3A_140 = arith.constant 0 : i32
    %dma_start3A_141 = tpu.memref_slice %arg8[%add3A_129, %dma_start3A_140] : memref<160x128xi32, #tpu.memory_space<vmem>> -> memref<1x128xi32, #tpu.memory_space<vmem>>
    %dma_start3A_142 = tpu.memref_squeeze %dma_start3A_141 : memref<1x128xi32, #tpu.memory_space<vmem>> -> memref<128xi32, #tpu.memory_space<vmem>>
    %dma_start3A_143 = arith.constant 0 : i32
    %dma_start3A_144 = arith.constant 0 : i32
    %dma_start3A_145 = tpu.memref_slice %arg13[%dma_start3A_143, %dma_start3A_144] : memref<10240x128xbf16, #tpu.memory_space<vmem_shared>> -> memref<10240x128xbf16, #tpu.memory_space<vmem_shared>>
    tpu.enqueue_indirect_dma source(%arg11 : memref<128x128xbf16, #tpu.memory_space<vmem>>) target(%dma_start3A_145 : memref<10240x128xbf16, #tpu.memory_space<vmem_shared>>) offsets(%dma_start3A_142 : memref<128xi32, #tpu.memory_space<vmem>>) semaphore(%arg20 : memref<!tpu.dma_semaphore, #tpu.memory_space<semaphore_mem>>) {add = true}
    %dma_wait3A_146 = arith.constant 0 : i32
    %dma_wait3A_147 = tpu.memref_slice %arg8[%add3A_129, %dma_wait3A_146] : memref<160x128xi32, #tpu.memory_space<vmem>> -> memref<1x128xi32, #tpu.memory_space<vmem>>
    %dma_wait3A_148 = tpu.memref_squeeze %dma_wait3A_147 : memref<1x128xi32, #tpu.memory_space<vmem>> -> memref<128xi32, #tpu.memory_space<vmem>>
    %dma_wait3A_149 = arith.constant 0 : i32
    %dma_wait3A_150 = arith.constant 0 : i32
    %dma_wait3A_151 = tpu.memref_slice %arg13[%dma_wait3A_149, %dma_wait3A_150] : memref<10240x128xbf16, #tpu.memory_space<vmem_shared>> -> memref<10240x128xbf16, #tpu.memory_space<vmem_shared>>
    tpu.wait_indirect_dma semaphore(%arg20 : memref<!tpu.dma_semaphore, #tpu.memory_space<semaphore_mem>>) src(%arg11 : memref<128x128xbf16, #tpu.memory_space<vmem>>) dst(%dma_wait3A_151 : memref<10240x128xbf16, #tpu.memory_space<vmem_shared>>)
    %add3A_152 = arith.addi %select_n3A, %select_n3A_6 : i32
    %sub3A_153 = arith.constant 4 : i32
    %sub3A_154 = arith.subi %add3A_152, %sub3A_153 : i32
    %add3A_155 = arith.constant 3 : i32
    %add3A_156 = arith.addi %sub3A_154, %add3A_155 : i32
    %dma_wait3A_157 = arith.constant 0 : i32
    %dma_wait3A_158 = tpu.memref_slice %arg7[%add3A_156, %dma_wait3A_157] : memref<160x128xi32, #tpu.memory_space<vmem>> -> memref<1x128xi32, #tpu.memory_space<vmem>>
    %dma_wait3A_159 = tpu.memref_squeeze %dma_wait3A_158 : memref<1x128xi32, #tpu.memory_space<vmem>> -> memref<128xi32, #tpu.memory_space<vmem>>
    %dma_wait3A_160 = arith.constant 0 : i32
    %dma_wait3A_161 = arith.constant 0 : i32
    %dma_wait3A_162 = tpu.memref_slice %arg2[%arg0, %dma_wait3A_160, %dma_wait3A_161] : memref<2x10000x128xbf16, #tpu.memory_space<hbm>> -> memref<1x10000x128xbf16, #tpu.memory_space<hbm>>
    %dma_wait3A_163 = tpu.memref_squeeze %dma_wait3A_162 : memref<1x10000x128xbf16, #tpu.memory_space<hbm>> -> memref<10000x128xbf16, #tpu.memory_space<hbm>>
    %dma_wait3A_164 = arith.constant 0 : i32
    %dma_wait3A_165 = arith.constant 0 : i32
    %dma_wait3A_166 = tpu.memref_slice %dma_wait3A_163[%dma_wait3A_164, %dma_wait3A_165] : memref<10000x128xbf16, #tpu.memory_space<hbm>> -> memref<10000x128xbf16, #tpu.memory_space<hbm>>
    tpu.wait_indirect_dma semaphore(%arg17 : memref<!tpu.dma_semaphore, #tpu.memory_space<semaphore_mem>>) src(%dma_wait3A_166 : memref<10000x128xbf16, #tpu.memory_space<hbm>>) dst(%arg12 : memref<128x128xbf16, #tpu.memory_space<vmem>>)
    %dma_start3A_167 = arith.constant 0 : i32
    %dma_start3A_168 = tpu.memref_slice %arg8[%add3A_156, %dma_start3A_167] : memref<160x128xi32, #tpu.memory_space<vmem>> -> memref<1x128xi32, #tpu.memory_space<vmem>>
    %dma_start3A_169 = tpu.memref_squeeze %dma_start3A_168 : memref<1x128xi32, #tpu.memory_space<vmem>> -> memref<128xi32, #tpu.memory_space<vmem>>
    %dma_start3A_170 = arith.constant 0 : i32
    %dma_start3A_171 = arith.constant 0 : i32
    %dma_start3A_172 = tpu.memref_slice %arg13[%dma_start3A_170, %dma_start3A_171] : memref<10240x128xbf16, #tpu.memory_space<vmem_shared>> -> memref<10240x128xbf16, #tpu.memory_space<vmem_shared>>
    tpu.enqueue_indirect_dma source(%arg12 : memref<128x128xbf16, #tpu.memory_space<vmem>>) target(%dma_start3A_172 : memref<10240x128xbf16, #tpu.memory_space<vmem_shared>>) offsets(%dma_start3A_169 : memref<128xi32, #tpu.memory_space<vmem>>) semaphore(%arg21 : memref<!tpu.dma_semaphore, #tpu.memory_space<semaphore_mem>>) {add = true}
    %dma_wait3A_173 = arith.constant 0 : i32
    %dma_wait3A_174 = tpu.memref_slice %arg8[%add3A_156, %dma_wait3A_173] : memref<160x128xi32, #tpu.memory_space<vmem>> -> memref<1x128xi32, #tpu.memory_space<vmem>>
    %dma_wait3A_175 = tpu.memref_squeeze %dma_wait3A_174 : memref<1x128xi32, #tpu.memory_space<vmem>> -> memref<128xi32, #tpu.memory_space<vmem>>
    %dma_wait3A_176 = arith.constant 0 : i32
    %dma_wait3A_177 = arith.constant 0 : i32
    %dma_wait3A_178 = tpu.memref_slice %arg13[%dma_wait3A_176, %dma_wait3A_177] : memref<10240x128xbf16, #tpu.memory_space<vmem_shared>> -> memref<10240x128xbf16, #tpu.memory_space<vmem_shared>>
    tpu.wait_indirect_dma semaphore(%arg21 : memref<!tpu.dma_semaphore, #tpu.memory_space<semaphore_mem>>) src(%arg12 : memref<128x128xbf16, #tpu.memory_space<vmem>>) dst(%dma_wait3A_178 : memref<10240x128xbf16, #tpu.memory_space<vmem_shared>>)
    %barrier3A_179 = arith.constant 0 : index
    tpu.barrier barrier_id(%barrier3A_179)
    "tpu.region"() ({
      %run_scoped3A = tpu.sem_alloc : memref<!tpu.dma_semaphore, #tpu.memory_space<semaphore_mem>>
      %dma_start3A_180 = arith.constant 0 : i32
      %dma_start3A_181 = arith.constant 0 : i32
      %dma_start3A_182 = tpu.memref_slice %arg6[%arg0, %dma_start3A_180, %dma_start3A_181] : memref<2x10240x128xbf16, #tpu.memory_space<hbm>> -> memref<1x10240x128xbf16, #tpu.memory_space<hbm>>
      %dma_start3A_183 = tpu.memref_squeeze %dma_start3A_182 : memref<1x10240x128xbf16, #tpu.memory_space<hbm>> -> memref<10240x128xbf16, #tpu.memory_space<hbm>>
      %dma_start3A_184 = arith.constant 0 : i32
      %dma_start3A_185 = tpu.memref_slice %dma_start3A_183[%mul3A_7, %dma_start3A_184] : memref<10240x128xbf16, #tpu.memory_space<hbm>> -> memref<640x128xbf16, #tpu.memory_space<hbm>>
      %dma_start3A_186 = arith.constant 0 : i32
      %dma_start3A_187 = tpu.memref_slice %arg13[%mul3A_7, %dma_start3A_186] : memref<10240x128xbf16, #tpu.memory_space<vmem_shared>> -> memref<640x128xbf16, #tpu.memory_space<vmem_shared>>
      tpu.enqueue_dma source(%dma_start3A_187 : memref<640x128xbf16, #tpu.memory_space<vmem_shared>>) target(%dma_start3A_185 : memref<640x128xbf16, #tpu.memory_space<hbm>>) target_semaphore(%run_scoped3A : memref<!tpu.dma_semaphore, #tpu.memory_space<semaphore_mem>>)
      %dma_wait3A_188 = arith.constant 0 : i32
      %dma_wait3A_189 = arith.constant 0 : i32
      %dma_wait3A_190 = tpu.memref_slice %arg6[%arg0, %dma_wait3A_188, %dma_wait3A_189] : memref<2x10240x128xbf16, #tpu.memory_space<hbm>> -> memref<1x10240x128xbf16, #tpu.memory_space<hbm>>
      %dma_wait3A_191 = tpu.memref_squeeze %dma_wait3A_190 : memref<1x10240x128xbf16, #tpu.memory_space<hbm>> -> memref<10240x128xbf16, #tpu.memory_space<hbm>>
      %dma_wait3A_192 = arith.constant 0 : i32
      %dma_wait3A_193 = tpu.memref_slice %dma_wait3A_191[%mul3A_7, %dma_wait3A_192] : memref<10240x128xbf16, #tpu.memory_space<hbm>> -> memref<640x128xbf16, #tpu.memory_space<hbm>>
      %dma_wait3A_194 = arith.constant 0 : i32
      %dma_wait3A_195 = tpu.memref_slice %arg13[%mul3A_7, %dma_wait3A_194] : memref<10240x128xbf16, #tpu.memory_space<vmem_shared>> -> memref<640x128xbf16, #tpu.memory_space<vmem_shared>>
      tpu.wait_dma2 semaphore(%run_scoped3A : memref<!tpu.dma_semaphore, #tpu.memory_space<semaphore_mem>>) src(%dma_wait3A_195 : memref<640x128xbf16, #tpu.memory_space<vmem_shared>>) dst(%dma_wait3A_193 : memref<640x128xbf16, #tpu.memory_space<hbm>>)
      tpu.yield
    }) : () -> ()
    return
  }
}

#map = affine_map<(d0, d1) -> (0, 0)>
#map1 = affine_map<(d0, d1) -> (0)>
#map2 = affine_map<(d0, d1) -> (0, 0, 0)>
module attributes {stable_mosaic.version = 14 : i64} {
  func.func @hist(%arg0: i32, %arg1: i32, %arg2: memref<32x10000xi32, #tpu.memory_space<hbm>>, %arg3: memref<32x10000xi32, #tpu.memory_space<hbm>>, %arg4: memref<10240xf32, #tpu.memory_space<hbm>>, %arg5: memref<2x2x10240xf32, #tpu.memory_space<hbm>>, %arg6: memref<10240xf32, #tpu.memory_space<vmem>>, %arg7: memref<10240xf32, #tpu.memory_space<vmem>>, %arg8: memref<10000xi32, #tpu.memory_space<vmem>>, %arg9: memref<10000xi32, #tpu.memory_space<vmem>>, %arg10: memref<16x640xf32, #tpu.memory_space<vmem>>, %arg11: memref<640xf32, #tpu.memory_space<vmem>>, %arg12: memref<16x10240xf32, #tpu.memory_space<vmem_shared>>) attributes {dimension_semantics = [#tpu.dimension_semantics<core_parallel>, #tpu.dimension_semantics<subcore_parallel>], iteration_bounds = array<i64: 2, 16>, scalar_prefetch = 0 : i64, scratch_operands = 7 : i64, tpu.core_type = #tpu.core_type<sc_vector_subcore>, window_params = [{transform_indices = #map}, {transform_indices = #map}, {transform_indices = #map1}, {transform_indices = #map2}]} {
    %mul3A = arith.constant 16 : i32
    %mul3A_0 = arith.muli %arg0, %mul3A : i32
    %add3A = arith.addi %mul3A_0, %arg1 : i32
    "tpu.region"() ({
      %run_scoped3A_28 = tpu.sem_alloc : memref<!tpu.dma_semaphore, #tpu.memory_space<semaphore_mem>>
      tpu.enqueue_dma source(%arg4 : memref<10240xf32, #tpu.memory_space<hbm>>) target(%arg6 : memref<10240xf32, #tpu.memory_space<vmem>>) target_semaphore(%run_scoped3A_28 : memref<!tpu.dma_semaphore, #tpu.memory_space<semaphore_mem>>)
      tpu.wait_dma2 semaphore(%run_scoped3A_28 : memref<!tpu.dma_semaphore, #tpu.memory_space<semaphore_mem>>) src(%arg4 : memref<10240xf32, #tpu.memory_space<hbm>>) dst(%arg6 : memref<10240xf32, #tpu.memory_space<vmem>>)
      tpu.yield
    }) : () -> ()
    "tpu.region"() ({
      %run_scoped3A_28 = tpu.sem_alloc : memref<!tpu.dma_semaphore, #tpu.memory_space<semaphore_mem>>
      tpu.enqueue_dma source(%arg4 : memref<10240xf32, #tpu.memory_space<hbm>>) target(%arg7 : memref<10240xf32, #tpu.memory_space<vmem>>) target_semaphore(%run_scoped3A_28 : memref<!tpu.dma_semaphore, #tpu.memory_space<semaphore_mem>>)
      tpu.wait_dma2 semaphore(%run_scoped3A_28 : memref<!tpu.dma_semaphore, #tpu.memory_space<semaphore_mem>>) src(%arg4 : memref<10240xf32, #tpu.memory_space<hbm>>) dst(%arg7 : memref<10240xf32, #tpu.memory_space<vmem>>)
      tpu.yield
    }) : () -> ()
    "tpu.region"() ({
      %run_scoped3A_28 = tpu.sem_alloc : memref<!tpu.dma_semaphore, #tpu.memory_space<semaphore_mem>>
      %dma_start3A = arith.constant 0 : i32
      %dma_start3A_29 = tpu.memref_slice %arg2[%add3A, %dma_start3A] : memref<32x10000xi32, #tpu.memory_space<hbm>> -> memref<1x10000xi32, #tpu.memory_space<hbm>>
      %dma_start3A_30 = tpu.memref_squeeze %dma_start3A_29 : memref<1x10000xi32, #tpu.memory_space<hbm>> -> memref<10000xi32, #tpu.memory_space<hbm>>
      %dma_start3A_31 = arith.constant 0 : i32
      %dma_start3A_32 = tpu.memref_slice %arg2[%add3A, %dma_start3A_31] : memref<32x10000xi32, #tpu.memory_space<hbm>> -> memref<1x10000xi32, #tpu.memory_space<hbm>>
      %dma_start3A_33 = tpu.memref_squeeze %dma_start3A_32 : memref<1x10000xi32, #tpu.memory_space<hbm>> -> memref<10000xi32, #tpu.memory_space<hbm>>
      tpu.enqueue_dma source(%dma_start3A_33 : memref<10000xi32, #tpu.memory_space<hbm>>) target(%arg8 : memref<10000xi32, #tpu.memory_space<vmem>>) target_semaphore(%run_scoped3A_28 : memref<!tpu.dma_semaphore, #tpu.memory_space<semaphore_mem>>)
      %dma_wait3A = arith.constant 0 : i32
      %dma_wait3A_34 = tpu.memref_slice %arg2[%add3A, %dma_wait3A] : memref<32x10000xi32, #tpu.memory_space<hbm>> -> memref<1x10000xi32, #tpu.memory_space<hbm>>
      %dma_wait3A_35 = tpu.memref_squeeze %dma_wait3A_34 : memref<1x10000xi32, #tpu.memory_space<hbm>> -> memref<10000xi32, #tpu.memory_space<hbm>>
      %dma_wait3A_36 = arith.constant 0 : i32
      %dma_wait3A_37 = tpu.memref_slice %arg2[%add3A, %dma_wait3A_36] : memref<32x10000xi32, #tpu.memory_space<hbm>> -> memref<1x10000xi32, #tpu.memory_space<hbm>>
      %dma_wait3A_38 = tpu.memref_squeeze %dma_wait3A_37 : memref<1x10000xi32, #tpu.memory_space<hbm>> -> memref<10000xi32, #tpu.memory_space<hbm>>
      tpu.wait_dma2 semaphore(%run_scoped3A_28 : memref<!tpu.dma_semaphore, #tpu.memory_space<semaphore_mem>>) src(%dma_wait3A_38 : memref<10000xi32, #tpu.memory_space<hbm>>) dst(%arg8 : memref<10000xi32, #tpu.memory_space<vmem>>)
      tpu.yield
    }) : () -> ()
    "tpu.region"() ({
      %run_scoped3A_28 = tpu.sem_alloc : memref<!tpu.dma_semaphore, #tpu.memory_space<semaphore_mem>>
      %dma_start3A = arith.constant 0 : i32
      %dma_start3A_29 = tpu.memref_slice %arg3[%add3A, %dma_start3A] : memref<32x10000xi32, #tpu.memory_space<hbm>> -> memref<1x10000xi32, #tpu.memory_space<hbm>>
      %dma_start3A_30 = tpu.memref_squeeze %dma_start3A_29 : memref<1x10000xi32, #tpu.memory_space<hbm>> -> memref<10000xi32, #tpu.memory_space<hbm>>
      %dma_start3A_31 = arith.constant 0 : i32
      %dma_start3A_32 = tpu.memref_slice %arg3[%add3A, %dma_start3A_31] : memref<32x10000xi32, #tpu.memory_space<hbm>> -> memref<1x10000xi32, #tpu.memory_space<hbm>>
      %dma_start3A_33 = tpu.memref_squeeze %dma_start3A_32 : memref<1x10000xi32, #tpu.memory_space<hbm>> -> memref<10000xi32, #tpu.memory_space<hbm>>
      tpu.enqueue_dma source(%dma_start3A_33 : memref<10000xi32, #tpu.memory_space<hbm>>) target(%arg9 : memref<10000xi32, #tpu.memory_space<vmem>>) target_semaphore(%run_scoped3A_28 : memref<!tpu.dma_semaphore, #tpu.memory_space<semaphore_mem>>)
      %dma_wait3A = arith.constant 0 : i32
      %dma_wait3A_34 = tpu.memref_slice %arg3[%add3A, %dma_wait3A] : memref<32x10000xi32, #tpu.memory_space<hbm>> -> memref<1x10000xi32, #tpu.memory_space<hbm>>
      %dma_wait3A_35 = tpu.memref_squeeze %dma_wait3A_34 : memref<1x10000xi32, #tpu.memory_space<hbm>> -> memref<10000xi32, #tpu.memory_space<hbm>>
      %dma_wait3A_36 = arith.constant 0 : i32
      %dma_wait3A_37 = tpu.memref_slice %arg3[%add3A, %dma_wait3A_36] : memref<32x10000xi32, #tpu.memory_space<hbm>> -> memref<1x10000xi32, #tpu.memory_space<hbm>>
      %dma_wait3A_38 = tpu.memref_squeeze %dma_wait3A_37 : memref<1x10000xi32, #tpu.memory_space<hbm>> -> memref<10000xi32, #tpu.memory_space<hbm>>
      tpu.wait_dma2 semaphore(%run_scoped3A_28 : memref<!tpu.dma_semaphore, #tpu.memory_space<semaphore_mem>>) src(%dma_wait3A_38 : memref<10000xi32, #tpu.memory_space<hbm>>) dst(%arg9 : memref<10000xi32, #tpu.memory_space<vmem>>)
      tpu.yield
    }) : () -> ()
    %broadcast_in_dim3A = arith.constant 1.000000e+00 : f32
    %broadcast_in_dim3A_1 = vector.broadcast %broadcast_in_dim3A : f32 to vector<16xf32>
    %scan3A = arith.constant 0 : i32
    %scan3A_2 = arith.constant 625 : i32
    %scan3A_3 = arith.addi %scan3A, %scan3A_2 : i32
    %scan3A_4 = arith.constant 1 : i32
    scf.for %scan3A_28 = %scan3A to %scan3A_3 step %scan3A_4  : i32 {
      %mul3A_29 = arith.constant 16 : i32
      %mul3A_30 = arith.muli %scan3A_28, %mul3A_29 : i32
      %add3A_31 = arith.constant 0 : i32
      %add3A_32 = arith.addi %add3A_31, %mul3A_30 : i32
      %get3A = arith.index_cast %add3A_32 : i32 to index
      %get3A_33 = tpu.vector_load %arg8[%get3A] {strides = array<i32>} : memref<10000xi32, #tpu.memory_space<vmem>>, vector<16xi32>,
      tpu.vector_store_idx %arg6[%get3A_33], %broadcast_in_dim3A_1 {add = true} : memref<10240xf32, #tpu.memory_space<vmem>>[vector<16xi32>], vector<16xf32>,
      %get3A_34 = arith.index_cast %add3A_32 : i32 to index
      %get3A_35 = tpu.vector_load %arg9[%get3A_34] {strides = array<i32>} : memref<10000xi32, #tpu.memory_space<vmem>>, vector<16xi32>,
      tpu.vector_store_idx %arg7[%get3A_35], %broadcast_in_dim3A_1 {add = true} : memref<10240xf32, #tpu.memory_space<vmem>>[vector<16xi32>], vector<16xf32>,
    }
    %scan3A_5 = arith.constant 625 : i32
    "tpu.region"() ({
      %run_scoped3A_28 = tpu.sem_alloc : memref<!tpu.dma_semaphore, #tpu.memory_space<semaphore_mem>>
      %dma_start3A = arith.constant 0 : i32
      %dma_start3A_29 = tpu.memref_slice %arg12[%arg1, %dma_start3A] : memref<16x10240xf32, #tpu.memory_space<vmem_shared>> -> memref<1x10240xf32, #tpu.memory_space<vmem_shared>>
      %dma_start3A_30 = tpu.memref_squeeze %dma_start3A_29 : memref<1x10240xf32, #tpu.memory_space<vmem_shared>> -> memref<10240xf32, #tpu.memory_space<vmem_shared>>
      %dma_start3A_31 = arith.constant 0 : i32
      %dma_start3A_32 = tpu.memref_slice %arg12[%arg1, %dma_start3A_31] : memref<16x10240xf32, #tpu.memory_space<vmem_shared>> -> memref<1x10240xf32, #tpu.memory_space<vmem_shared>>
      %dma_start3A_33 = tpu.memref_squeeze %dma_start3A_32 : memref<1x10240xf32, #tpu.memory_space<vmem_shared>> -> memref<10240xf32, #tpu.memory_space<vmem_shared>>
      tpu.enqueue_dma source(%arg6 : memref<10240xf32, #tpu.memory_space<vmem>>) target(%dma_start3A_33 : memref<10240xf32, #tpu.memory_space<vmem_shared>>) target_semaphore(%run_scoped3A_28 : memref<!tpu.dma_semaphore, #tpu.memory_space<semaphore_mem>>)
      %dma_wait3A = arith.constant 0 : i32
      %dma_wait3A_34 = tpu.memref_slice %arg12[%arg1, %dma_wait3A] : memref<16x10240xf32, #tpu.memory_space<vmem_shared>> -> memref<1x10240xf32, #tpu.memory_space<vmem_shared>>
      %dma_wait3A_35 = tpu.memref_squeeze %dma_wait3A_34 : memref<1x10240xf32, #tpu.memory_space<vmem_shared>> -> memref<10240xf32, #tpu.memory_space<vmem_shared>>
      %dma_wait3A_36 = arith.constant 0 : i32
      %dma_wait3A_37 = tpu.memref_slice %arg12[%arg1, %dma_wait3A_36] : memref<16x10240xf32, #tpu.memory_space<vmem_shared>> -> memref<1x10240xf32, #tpu.memory_space<vmem_shared>>
      %dma_wait3A_38 = tpu.memref_squeeze %dma_wait3A_37 : memref<1x10240xf32, #tpu.memory_space<vmem_shared>> -> memref<10240xf32, #tpu.memory_space<vmem_shared>>
      tpu.wait_dma2 semaphore(%run_scoped3A_28 : memref<!tpu.dma_semaphore, #tpu.memory_space<semaphore_mem>>) src(%arg6 : memref<10240xf32, #tpu.memory_space<vmem>>) dst(%dma_wait3A_38 : memref<10240xf32, #tpu.memory_space<vmem_shared>>)
      tpu.yield
    }) : () -> ()
    %barrier3A = arith.constant 0 : index
    tpu.barrier barrier_id(%barrier3A)
    %mul3A_6 = arith.constant 640 : i32
    %mul3A_7 = arith.muli %arg1, %mul3A_6 : i32
    "tpu.region"() ({
      %run_scoped3A_28 = tpu.sem_alloc : memref<!tpu.dma_semaphore, #tpu.memory_space<semaphore_mem>>
      %dma_start3A = arith.constant 0 : i32
      %dma_start3A_29 = tpu.memref_slice %arg12[%dma_start3A, %mul3A_7] : memref<16x10240xf32, #tpu.memory_space<vmem_shared>> -> memref<16x640xf32, #tpu.memory_space<vmem_shared>>
      %dma_start3A_30 = arith.constant 0 : i32
      %dma_start3A_31 = tpu.memref_slice %arg12[%dma_start3A_30, %mul3A_7] : memref<16x10240xf32, #tpu.memory_space<vmem_shared>> -> memref<16x640xf32, #tpu.memory_space<vmem_shared>>
      tpu.enqueue_dma source(%dma_start3A_31 : memref<16x640xf32, #tpu.memory_space<vmem_shared>>) target(%arg10 : memref<16x640xf32, #tpu.memory_space<vmem>>) target_semaphore(%run_scoped3A_28 : memref<!tpu.dma_semaphore, #tpu.memory_space<semaphore_mem>>)
      %dma_wait3A = arith.constant 0 : i32
      %dma_wait3A_32 = tpu.memref_slice %arg12[%dma_wait3A, %mul3A_7] : memref<16x10240xf32, #tpu.memory_space<vmem_shared>> -> memref<16x640xf32, #tpu.memory_space<vmem_shared>>
      %dma_wait3A_33 = arith.constant 0 : i32
      %dma_wait3A_34 = tpu.memref_slice %arg12[%dma_wait3A_33, %mul3A_7] : memref<16x10240xf32, #tpu.memory_space<vmem_shared>> -> memref<16x640xf32, #tpu.memory_space<vmem_shared>>
      tpu.wait_dma2 semaphore(%run_scoped3A_28 : memref<!tpu.dma_semaphore, #tpu.memory_space<semaphore_mem>>) src(%dma_wait3A_34 : memref<16x640xf32, #tpu.memory_space<vmem_shared>>) dst(%arg10 : memref<16x640xf32, #tpu.memory_space<vmem>>)
      tpu.yield
    }) : () -> ()
    %scan3A_8 = arith.constant 0 : i32
    %scan3A_9 = arith.constant 40 : i32
    %scan3A_10 = arith.addi %scan3A_8, %scan3A_9 : i32
    %scan3A_11 = arith.constant 1 : i32
    scf.for %scan3A_28 = %scan3A_8 to %scan3A_10 step %scan3A_11  : i32 {
      %mul3A_29 = arith.constant 16 : i32
      %mul3A_30 = arith.muli %scan3A_28, %mul3A_29 : i32
      %add3A_31 = arith.constant 0 : i32
      %add3A_32 = arith.addi %add3A_31, %mul3A_30 : i32
      %get3A = arith.constant 0 : i32
      %get3A_33 = arith.index_cast %get3A : i32 to index
      %get3A_34 = arith.index_cast %add3A_32 : i32 to index
      %get3A_35 = tpu.vector_load %arg10[%get3A_33, %get3A_34] {strides = array<i32>} : memref<16x640xf32, #tpu.memory_space<vmem>>, vector<16xf32>,
      %get3A_36 = arith.constant 1 : i32
      %get3A_37 = arith.index_cast %get3A_36 : i32 to index
      %get3A_38 = arith.index_cast %add3A_32 : i32 to index
      %get3A_39 = tpu.vector_load %arg10[%get3A_37, %get3A_38] {strides = array<i32>} : memref<16x640xf32, #tpu.memory_space<vmem>>, vector<16xf32>,
      %add3A_40 = arith.addf %get3A_35, %get3A_39 : vector<16xf32>
      %get3A_41 = arith.constant 2 : i32
      %get3A_42 = arith.index_cast %get3A_41 : i32 to index
      %get3A_43 = arith.index_cast %add3A_32 : i32 to index
      %get3A_44 = tpu.vector_load %arg10[%get3A_42, %get3A_43] {strides = array<i32>} : memref<16x640xf32, #tpu.memory_space<vmem>>, vector<16xf32>,
      %add3A_45 = arith.addf %add3A_40, %get3A_44 : vector<16xf32>
      %get3A_46 = arith.constant 3 : i32
      %get3A_47 = arith.index_cast %get3A_46 : i32 to index
      %get3A_48 = arith.index_cast %add3A_32 : i32 to index
      %get3A_49 = tpu.vector_load %arg10[%get3A_47, %get3A_48] {strides = array<i32>} : memref<16x640xf32, #tpu.memory_space<vmem>>, vector<16xf32>,
      %add3A_50 = arith.addf %add3A_45, %get3A_49 : vector<16xf32>
      %get3A_51 = arith.constant 4 : i32
      %get3A_52 = arith.index_cast %get3A_51 : i32 to index
      %get3A_53 = arith.index_cast %add3A_32 : i32 to index
      %get3A_54 = tpu.vector_load %arg10[%get3A_52, %get3A_53] {strides = array<i32>} : memref<16x640xf32, #tpu.memory_space<vmem>>, vector<16xf32>,
      %add3A_55 = arith.addf %add3A_50, %get3A_54 : vector<16xf32>
      %get3A_56 = arith.constant 5 : i32
      %get3A_57 = arith.index_cast %get3A_56 : i32 to index
      %get3A_58 = arith.index_cast %add3A_32 : i32 to index
      %get3A_59 = tpu.vector_load %arg10[%get3A_57, %get3A_58] {strides = array<i32>} : memref<16x640xf32, #tpu.memory_space<vmem>>, vector<16xf32>,
      %add3A_60 = arith.addf %add3A_55, %get3A_59 : vector<16xf32>
      %get3A_61 = arith.constant 6 : i32
      %get3A_62 = arith.index_cast %get3A_61 : i32 to index
      %get3A_63 = arith.index_cast %add3A_32 : i32 to index
      %get3A_64 = tpu.vector_load %arg10[%get3A_62, %get3A_63] {strides = array<i32>} : memref<16x640xf32, #tpu.memory_space<vmem>>, vector<16xf32>,
      %add3A_65 = arith.addf %add3A_60, %get3A_64 : vector<16xf32>
      %get3A_66 = arith.constant 7 : i32
      %get3A_67 = arith.index_cast %get3A_66 : i32 to index
      %get3A_68 = arith.index_cast %add3A_32 : i32 to index
      %get3A_69 = tpu.vector_load %arg10[%get3A_67, %get3A_68] {strides = array<i32>} : memref<16x640xf32, #tpu.memory_space<vmem>>, vector<16xf32>,
      %add3A_70 = arith.addf %add3A_65, %get3A_69 : vector<16xf32>
      %get3A_71 = arith.constant 8 : i32
      %get3A_72 = arith.index_cast %get3A_71 : i32 to index
      %get3A_73 = arith.index_cast %add3A_32 : i32 to index
      %get3A_74 = tpu.vector_load %arg10[%get3A_72, %get3A_73] {strides = array<i32>} : memref<16x640xf32, #tpu.memory_space<vmem>>, vector<16xf32>,
      %add3A_75 = arith.addf %add3A_70, %get3A_74 : vector<16xf32>
      %get3A_76 = arith.constant 9 : i32
      %get3A_77 = arith.index_cast %get3A_76 : i32 to index
      %get3A_78 = arith.index_cast %add3A_32 : i32 to index
      %get3A_79 = tpu.vector_load %arg10[%get3A_77, %get3A_78] {strides = array<i32>} : memref<16x640xf32, #tpu.memory_space<vmem>>, vector<16xf32>,
      %add3A_80 = arith.addf %add3A_75, %get3A_79 : vector<16xf32>
      %get3A_81 = arith.constant 10 : i32
      %get3A_82 = arith.index_cast %get3A_81 : i32 to index
      %get3A_83 = arith.index_cast %add3A_32 : i32 to index
      %get3A_84 = tpu.vector_load %arg10[%get3A_82, %get3A_83] {strides = array<i32>} : memref<16x640xf32, #tpu.memory_space<vmem>>, vector<16xf32>,
      %add3A_85 = arith.addf %add3A_80, %get3A_84 : vector<16xf32>
      %get3A_86 = arith.constant 11 : i32
      %get3A_87 = arith.index_cast %get3A_86 : i32 to index
      %get3A_88 = arith.index_cast %add3A_32 : i32 to index
      %get3A_89 = tpu.vector_load %arg10[%get3A_87, %get3A_88] {strides = array<i32>} : memref<16x640xf32, #tpu.memory_space<vmem>>, vector<16xf32>,
      %add3A_90 = arith.addf %add3A_85, %get3A_89 : vector<16xf32>
      %get3A_91 = arith.constant 12 : i32
      %get3A_92 = arith.index_cast %get3A_91 : i32 to index
      %get3A_93 = arith.index_cast %add3A_32 : i32 to index
      %get3A_94 = tpu.vector_load %arg10[%get3A_92, %get3A_93] {strides = array<i32>} : memref<16x640xf32, #tpu.memory_space<vmem>>, vector<16xf32>,
      %add3A_95 = arith.addf %add3A_90, %get3A_94 : vector<16xf32>
      %get3A_96 = arith.constant 13 : i32
      %get3A_97 = arith.index_cast %get3A_96 : i32 to index
      %get3A_98 = arith.index_cast %add3A_32 : i32 to index
      %get3A_99 = tpu.vector_load %arg10[%get3A_97, %get3A_98] {strides = array<i32>} : memref<16x640xf32, #tpu.memory_space<vmem>>, vector<16xf32>,
      %add3A_100 = arith.addf %add3A_95, %get3A_99 : vector<16xf32>
      %get3A_101 = arith.constant 14 : i32
      %get3A_102 = arith.index_cast %get3A_101 : i32 to index
      %get3A_103 = arith.index_cast %add3A_32 : i32 to index
      %get3A_104 = tpu.vector_load %arg10[%get3A_102, %get3A_103] {strides = array<i32>} : memref<16x640xf32, #tpu.memory_space<vmem>>, vector<16xf32>,
      %add3A_105 = arith.addf %add3A_100, %get3A_104 : vector<16xf32>
      %get3A_106 = arith.constant 15 : i32
      %get3A_107 = arith.index_cast %get3A_106 : i32 to index
      %get3A_108 = arith.index_cast %add3A_32 : i32 to index
      %get3A_109 = tpu.vector_load %arg10[%get3A_107, %get3A_108] {strides = array<i32>} : memref<16x640xf32, #tpu.memory_space<vmem>>, vector<16xf32>,
      %add3A_110 = arith.addf %add3A_105, %get3A_109 : vector<16xf32>
      %swap3A = arith.index_cast %add3A_32 : i32 to index
      %swap3A_111 = tpu.vector_load %arg11[%swap3A] {strides = array<i32>} : memref<640xf32, #tpu.memory_space<vmem>>, vector<16xf32>,
      tpu.vector_store %arg11[%swap3A], %add3A_110 {strides = array<i32>} : memref<640xf32, #tpu.memory_space<vmem>>, vector<16xf32>,
    }
    %scan3A_12 = arith.constant 40 : i32
    %mul3A_13 = arith.constant 640 : i32
    %mul3A_14 = arith.muli %arg1, %mul3A_13 : i32
    %run_scoped3A = arith.constant 0 : i32
    "tpu.region"() ({
      %run_scoped3A_28 = tpu.sem_alloc : memref<!tpu.dma_semaphore, #tpu.memory_space<semaphore_mem>>
      %dma_start3A = tpu.memref_slice %arg5[%arg0, %run_scoped3A, %mul3A_14] : memref<2x2x10240xf32, #tpu.memory_space<hbm>> -> memref<1x1x640xf32, #tpu.memory_space<hbm>>
      %dma_start3A_29 = tpu.memref_squeeze %dma_start3A : memref<1x1x640xf32, #tpu.memory_space<hbm>> -> memref<640xf32, #tpu.memory_space<hbm>>
      %dma_start3A_30 = tpu.memref_slice %arg5[%arg0, %run_scoped3A, %mul3A_14] : memref<2x2x10240xf32, #tpu.memory_space<hbm>> -> memref<1x1x640xf32, #tpu.memory_space<hbm>>
      %dma_start3A_31 = tpu.memref_squeeze %dma_start3A_30 : memref<1x1x640xf32, #tpu.memory_space<hbm>> -> memref<640xf32, #tpu.memory_space<hbm>>
      tpu.enqueue_dma source(%arg11 : memref<640xf32, #tpu.memory_space<vmem>>) target(%dma_start3A_31 : memref<640xf32, #tpu.memory_space<hbm>>) target_semaphore(%run_scoped3A_28 : memref<!tpu.dma_semaphore, #tpu.memory_space<semaphore_mem>>)
      %dma_wait3A = tpu.memref_slice %arg5[%arg0, %run_scoped3A, %mul3A_14] : memref<2x2x10240xf32, #tpu.memory_space<hbm>> -> memref<1x1x640xf32, #tpu.memory_space<hbm>>
      %dma_wait3A_32 = tpu.memref_squeeze %dma_wait3A : memref<1x1x640xf32, #tpu.memory_space<hbm>> -> memref<640xf32, #tpu.memory_space<hbm>>
      %dma_wait3A_33 = tpu.memref_slice %arg5[%arg0, %run_scoped3A, %mul3A_14] : memref<2x2x10240xf32, #tpu.memory_space<hbm>> -> memref<1x1x640xf32, #tpu.memory_space<hbm>>
      %dma_wait3A_34 = tpu.memref_squeeze %dma_wait3A_33 : memref<1x1x640xf32, #tpu.memory_space<hbm>> -> memref<640xf32, #tpu.memory_space<hbm>>
      tpu.wait_dma2 semaphore(%run_scoped3A_28 : memref<!tpu.dma_semaphore, #tpu.memory_space<semaphore_mem>>) src(%arg11 : memref<640xf32, #tpu.memory_space<vmem>>) dst(%dma_wait3A_34 : memref<640xf32, #tpu.memory_space<hbm>>)
      tpu.yield
    }) : () -> ()
    %barrier3A_15 = arith.constant 0 : index
    tpu.barrier barrier_id(%barrier3A_15)
    "tpu.region"() ({
      %run_scoped3A_28 = tpu.sem_alloc : memref<!tpu.dma_semaphore, #tpu.memory_space<semaphore_mem>>
      %dma_start3A = arith.constant 0 : i32
      %dma_start3A_29 = tpu.memref_slice %arg12[%arg1, %dma_start3A] : memref<16x10240xf32, #tpu.memory_space<vmem_shared>> -> memref<1x10240xf32, #tpu.memory_space<vmem_shared>>
      %dma_start3A_30 = tpu.memref_squeeze %dma_start3A_29 : memref<1x10240xf32, #tpu.memory_space<vmem_shared>> -> memref<10240xf32, #tpu.memory_space<vmem_shared>>
      %dma_start3A_31 = arith.constant 0 : i32
      %dma_start3A_32 = tpu.memref_slice %arg12[%arg1, %dma_start3A_31] : memref<16x10240xf32, #tpu.memory_space<vmem_shared>> -> memref<1x10240xf32, #tpu.memory_space<vmem_shared>>
      %dma_start3A_33 = tpu.memref_squeeze %dma_start3A_32 : memref<1x10240xf32, #tpu.memory_space<vmem_shared>> -> memref<10240xf32, #tpu.memory_space<vmem_shared>>
      tpu.enqueue_dma source(%arg7 : memref<10240xf32, #tpu.memory_space<vmem>>) target(%dma_start3A_33 : memref<10240xf32, #tpu.memory_space<vmem_shared>>) target_semaphore(%run_scoped3A_28 : memref<!tpu.dma_semaphore, #tpu.memory_space<semaphore_mem>>)
      %dma_wait3A = arith.constant 0 : i32
      %dma_wait3A_34 = tpu.memref_slice %arg12[%arg1, %dma_wait3A] : memref<16x10240xf32, #tpu.memory_space<vmem_shared>> -> memref<1x10240xf32, #tpu.memory_space<vmem_shared>>
      %dma_wait3A_35 = tpu.memref_squeeze %dma_wait3A_34 : memref<1x10240xf32, #tpu.memory_space<vmem_shared>> -> memref<10240xf32, #tpu.memory_space<vmem_shared>>
      %dma_wait3A_36 = arith.constant 0 : i32
      %dma_wait3A_37 = tpu.memref_slice %arg12[%arg1, %dma_wait3A_36] : memref<16x10240xf32, #tpu.memory_space<vmem_shared>> -> memref<1x10240xf32, #tpu.memory_space<vmem_shared>>
      %dma_wait3A_38 = tpu.memref_squeeze %dma_wait3A_37 : memref<1x10240xf32, #tpu.memory_space<vmem_shared>> -> memref<10240xf32, #tpu.memory_space<vmem_shared>>
      tpu.wait_dma2 semaphore(%run_scoped3A_28 : memref<!tpu.dma_semaphore, #tpu.memory_space<semaphore_mem>>) src(%arg7 : memref<10240xf32, #tpu.memory_space<vmem>>) dst(%dma_wait3A_38 : memref<10240xf32, #tpu.memory_space<vmem_shared>>)
      tpu.yield
    }) : () -> ()
    %barrier3A_16 = arith.constant 0 : index
    tpu.barrier barrier_id(%barrier3A_16)
    %mul3A_17 = arith.constant 640 : i32
    %mul3A_18 = arith.muli %arg1, %mul3A_17 : i32
    "tpu.region"() ({
      %run_scoped3A_28 = tpu.sem_alloc : memref<!tpu.dma_semaphore, #tpu.memory_space<semaphore_mem>>
      %dma_start3A = arith.constant 0 : i32
      %dma_start3A_29 = tpu.memref_slice %arg12[%dma_start3A, %mul3A_18] : memref<16x10240xf32, #tpu.memory_space<vmem_shared>> -> memref<16x640xf32, #tpu.memory_space<vmem_shared>>
      %dma_start3A_30 = arith.constant 0 : i32
      %dma_start3A_31 = tpu.memref_slice %arg12[%dma_start3A_30, %mul3A_18] : memref<16x10240xf32, #tpu.memory_space<vmem_shared>> -> memref<16x640xf32, #tpu.memory_space<vmem_shared>>
      tpu.enqueue_dma source(%dma_start3A_31 : memref<16x640xf32, #tpu.memory_space<vmem_shared>>) target(%arg10 : memref<16x640xf32, #tpu.memory_space<vmem>>) target_semaphore(%run_scoped3A_28 : memref<!tpu.dma_semaphore, #tpu.memory_space<semaphore_mem>>)
      %dma_wait3A = arith.constant 0 : i32
      %dma_wait3A_32 = tpu.memref_slice %arg12[%dma_wait3A, %mul3A_18] : memref<16x10240xf32, #tpu.memory_space<vmem_shared>> -> memref<16x640xf32, #tpu.memory_space<vmem_shared>>
      %dma_wait3A_33 = arith.constant 0 : i32
      %dma_wait3A_34 = tpu.memref_slice %arg12[%dma_wait3A_33, %mul3A_18] : memref<16x10240xf32, #tpu.memory_space<vmem_shared>> -> memref<16x640xf32, #tpu.memory_space<vmem_shared>>
      tpu.wait_dma2 semaphore(%run_scoped3A_28 : memref<!tpu.dma_semaphore, #tpu.memory_space<semaphore_mem>>) src(%dma_wait3A_34 : memref<16x640xf32, #tpu.memory_space<vmem_shared>>) dst(%arg10 : memref<16x640xf32, #tpu.memory_space<vmem>>)
      tpu.yield
    }) : () -> ()
    %scan3A_19 = arith.constant 0 : i32
    %scan3A_20 = arith.constant 40 : i32
    %scan3A_21 = arith.addi %scan3A_19, %scan3A_20 : i32
    %scan3A_22 = arith.constant 1 : i32
    scf.for %scan3A_28 = %scan3A_19 to %scan3A_21 step %scan3A_22  : i32 {
      %mul3A_29 = arith.constant 16 : i32
      %mul3A_30 = arith.muli %scan3A_28, %mul3A_29 : i32
      %add3A_31 = arith.constant 0 : i32
      %add3A_32 = arith.addi %add3A_31, %mul3A_30 : i32
      %get3A = arith.constant 0 : i32
      %get3A_33 = arith.index_cast %get3A : i32 to index
      %get3A_34 = arith.index_cast %add3A_32 : i32 to index
      %get3A_35 = tpu.vector_load %arg10[%get3A_33, %get3A_34] {strides = array<i32>} : memref<16x640xf32, #tpu.memory_space<vmem>>, vector<16xf32>,
      %get3A_36 = arith.constant 1 : i32
      %get3A_37 = arith.index_cast %get3A_36 : i32 to index
      %get3A_38 = arith.index_cast %add3A_32 : i32 to index
      %get3A_39 = tpu.vector_load %arg10[%get3A_37, %get3A_38] {strides = array<i32>} : memref<16x640xf32, #tpu.memory_space<vmem>>, vector<16xf32>,
      %add3A_40 = arith.addf %get3A_35, %get3A_39 : vector<16xf32>
      %get3A_41 = arith.constant 2 : i32
      %get3A_42 = arith.index_cast %get3A_41 : i32 to index
      %get3A_43 = arith.index_cast %add3A_32 : i32 to index
      %get3A_44 = tpu.vector_load %arg10[%get3A_42, %get3A_43] {strides = array<i32>} : memref<16x640xf32, #tpu.memory_space<vmem>>, vector<16xf32>,
      %add3A_45 = arith.addf %add3A_40, %get3A_44 : vector<16xf32>
      %get3A_46 = arith.constant 3 : i32
      %get3A_47 = arith.index_cast %get3A_46 : i32 to index
      %get3A_48 = arith.index_cast %add3A_32 : i32 to index
      %get3A_49 = tpu.vector_load %arg10[%get3A_47, %get3A_48] {strides = array<i32>} : memref<16x640xf32, #tpu.memory_space<vmem>>, vector<16xf32>,
      %add3A_50 = arith.addf %add3A_45, %get3A_49 : vector<16xf32>
      %get3A_51 = arith.constant 4 : i32
      %get3A_52 = arith.index_cast %get3A_51 : i32 to index
      %get3A_53 = arith.index_cast %add3A_32 : i32 to index
      %get3A_54 = tpu.vector_load %arg10[%get3A_52, %get3A_53] {strides = array<i32>} : memref<16x640xf32, #tpu.memory_space<vmem>>, vector<16xf32>,
      %add3A_55 = arith.addf %add3A_50, %get3A_54 : vector<16xf32>
      %get3A_56 = arith.constant 5 : i32
      %get3A_57 = arith.index_cast %get3A_56 : i32 to index
      %get3A_58 = arith.index_cast %add3A_32 : i32 to index
      %get3A_59 = tpu.vector_load %arg10[%get3A_57, %get3A_58] {strides = array<i32>} : memref<16x640xf32, #tpu.memory_space<vmem>>, vector<16xf32>,
      %add3A_60 = arith.addf %add3A_55, %get3A_59 : vector<16xf32>
      %get3A_61 = arith.constant 6 : i32
      %get3A_62 = arith.index_cast %get3A_61 : i32 to index
      %get3A_63 = arith.index_cast %add3A_32 : i32 to index
      %get3A_64 = tpu.vector_load %arg10[%get3A_62, %get3A_63] {strides = array<i32>} : memref<16x640xf32, #tpu.memory_space<vmem>>, vector<16xf32>,
      %add3A_65 = arith.addf %add3A_60, %get3A_64 : vector<16xf32>
      %get3A_66 = arith.constant 7 : i32
      %get3A_67 = arith.index_cast %get3A_66 : i32 to index
      %get3A_68 = arith.index_cast %add3A_32 : i32 to index
      %get3A_69 = tpu.vector_load %arg10[%get3A_67, %get3A_68] {strides = array<i32>} : memref<16x640xf32, #tpu.memory_space<vmem>>, vector<16xf32>,
      %add3A_70 = arith.addf %add3A_65, %get3A_69 : vector<16xf32>
      %get3A_71 = arith.constant 8 : i32
      %get3A_72 = arith.index_cast %get3A_71 : i32 to index
      %get3A_73 = arith.index_cast %add3A_32 : i32 to index
      %get3A_74 = tpu.vector_load %arg10[%get3A_72, %get3A_73] {strides = array<i32>} : memref<16x640xf32, #tpu.memory_space<vmem>>, vector<16xf32>,
      %add3A_75 = arith.addf %add3A_70, %get3A_74 : vector<16xf32>
      %get3A_76 = arith.constant 9 : i32
      %get3A_77 = arith.index_cast %get3A_76 : i32 to index
      %get3A_78 = arith.index_cast %add3A_32 : i32 to index
      %get3A_79 = tpu.vector_load %arg10[%get3A_77, %get3A_78] {strides = array<i32>} : memref<16x640xf32, #tpu.memory_space<vmem>>, vector<16xf32>,
      %add3A_80 = arith.addf %add3A_75, %get3A_79 : vector<16xf32>
      %get3A_81 = arith.constant 10 : i32
      %get3A_82 = arith.index_cast %get3A_81 : i32 to index
      %get3A_83 = arith.index_cast %add3A_32 : i32 to index
      %get3A_84 = tpu.vector_load %arg10[%get3A_82, %get3A_83] {strides = array<i32>} : memref<16x640xf32, #tpu.memory_space<vmem>>, vector<16xf32>,
      %add3A_85 = arith.addf %add3A_80, %get3A_84 : vector<16xf32>
      %get3A_86 = arith.constant 11 : i32
      %get3A_87 = arith.index_cast %get3A_86 : i32 to index
      %get3A_88 = arith.index_cast %add3A_32 : i32 to index
      %get3A_89 = tpu.vector_load %arg10[%get3A_87, %get3A_88] {strides = array<i32>} : memref<16x640xf32, #tpu.memory_space<vmem>>, vector<16xf32>,
      %add3A_90 = arith.addf %add3A_85, %get3A_89 : vector<16xf32>
      %get3A_91 = arith.constant 12 : i32
      %get3A_92 = arith.index_cast %get3A_91 : i32 to index
      %get3A_93 = arith.index_cast %add3A_32 : i32 to index
      %get3A_94 = tpu.vector_load %arg10[%get3A_92, %get3A_93] {strides = array<i32>} : memref<16x640xf32, #tpu.memory_space<vmem>>, vector<16xf32>,
      %add3A_95 = arith.addf %add3A_90, %get3A_94 : vector<16xf32>
      %get3A_96 = arith.constant 13 : i32
      %get3A_97 = arith.index_cast %get3A_96 : i32 to index
      %get3A_98 = arith.index_cast %add3A_32 : i32 to index
      %get3A_99 = tpu.vector_load %arg10[%get3A_97, %get3A_98] {strides = array<i32>} : memref<16x640xf32, #tpu.memory_space<vmem>>, vector<16xf32>,
      %add3A_100 = arith.addf %add3A_95, %get3A_99 : vector<16xf32>
      %get3A_101 = arith.constant 14 : i32
      %get3A_102 = arith.index_cast %get3A_101 : i32 to index
      %get3A_103 = arith.index_cast %add3A_32 : i32 to index
      %get3A_104 = tpu.vector_load %arg10[%get3A_102, %get3A_103] {strides = array<i32>} : memref<16x640xf32, #tpu.memory_space<vmem>>, vector<16xf32>,
      %add3A_105 = arith.addf %add3A_100, %get3A_104 : vector<16xf32>
      %get3A_106 = arith.constant 15 : i32
      %get3A_107 = arith.index_cast %get3A_106 : i32 to index
      %get3A_108 = arith.index_cast %add3A_32 : i32 to index
      %get3A_109 = tpu.vector_load %arg10[%get3A_107, %get3A_108] {strides = array<i32>} : memref<16x640xf32, #tpu.memory_space<vmem>>, vector<16xf32>,
      %add3A_110 = arith.addf %add3A_105, %get3A_109 : vector<16xf32>
      %swap3A = arith.index_cast %add3A_32 : i32 to index
      %swap3A_111 = tpu.vector_load %arg11[%swap3A] {strides = array<i32>} : memref<640xf32, #tpu.memory_space<vmem>>, vector<16xf32>,
      tpu.vector_store %arg11[%swap3A], %add3A_110 {strides = array<i32>} : memref<640xf32, #tpu.memory_space<vmem>>, vector<16xf32>,
    }
    %scan3A_23 = arith.constant 40 : i32
    %mul3A_24 = arith.constant 640 : i32
    %mul3A_25 = arith.muli %arg1, %mul3A_24 : i32
    %run_scoped3A_26 = arith.constant 1 : i32
    "tpu.region"() ({
      %run_scoped3A_28 = tpu.sem_alloc : memref<!tpu.dma_semaphore, #tpu.memory_space<semaphore_mem>>
      %dma_start3A = tpu.memref_slice %arg5[%arg0, %run_scoped3A_26, %mul3A_25] : memref<2x2x10240xf32, #tpu.memory_space<hbm>> -> memref<1x1x640xf32, #tpu.memory_space<hbm>>
      %dma_start3A_29 = tpu.memref_squeeze %dma_start3A : memref<1x1x640xf32, #tpu.memory_space<hbm>> -> memref<640xf32, #tpu.memory_space<hbm>>
      %dma_start3A_30 = tpu.memref_slice %arg5[%arg0, %run_scoped3A_26, %mul3A_25] : memref<2x2x10240xf32, #tpu.memory_space<hbm>> -> memref<1x1x640xf32, #tpu.memory_space<hbm>>
      %dma_start3A_31 = tpu.memref_squeeze %dma_start3A_30 : memref<1x1x640xf32, #tpu.memory_space<hbm>> -> memref<640xf32, #tpu.memory_space<hbm>>
      tpu.enqueue_dma source(%arg11 : memref<640xf32, #tpu.memory_space<vmem>>) target(%dma_start3A_31 : memref<640xf32, #tpu.memory_space<hbm>>) target_semaphore(%run_scoped3A_28 : memref<!tpu.dma_semaphore, #tpu.memory_space<semaphore_mem>>)
      %dma_wait3A = tpu.memref_slice %arg5[%arg0, %run_scoped3A_26, %mul3A_25] : memref<2x2x10240xf32, #tpu.memory_space<hbm>> -> memref<1x1x640xf32, #tpu.memory_space<hbm>>
      %dma_wait3A_32 = tpu.memref_squeeze %dma_wait3A : memref<1x1x640xf32, #tpu.memory_space<hbm>> -> memref<640xf32, #tpu.memory_space<hbm>>
      %dma_wait3A_33 = tpu.memref_slice %arg5[%arg0, %run_scoped3A_26, %mul3A_25] : memref<2x2x10240xf32, #tpu.memory_space<hbm>> -> memref<1x1x640xf32, #tpu.memory_space<hbm>>
      %dma_wait3A_34 = tpu.memref_squeeze %dma_wait3A_33 : memref<1x1x640xf32, #tpu.memory_space<hbm>> -> memref<640xf32, #tpu.memory_space<hbm>>
      tpu.wait_dma2 semaphore(%run_scoped3A_28 : memref<!tpu.dma_semaphore, #tpu.memory_space<semaphore_mem>>) src(%arg11 : memref<640xf32, #tpu.memory_space<vmem>>) dst(%dma_wait3A_34 : memref<640xf32, #tpu.memory_space<hbm>>)
      tpu.yield
    }) : () -> ()
    %barrier3A_27 = arith.constant 0 : index
    tpu.barrier barrier_id(%barrier3A_27)
    return
  }
}

module attributes {stable_mosaic.version = 14 : i64} {
  func.func @body(%arg0: memref<10000x128xf32, #tpu.memory_space<vmem>>, %arg1: memref<128x128xf32, #tpu.memory_space<vmem>>, %arg2: memref<10000x128xf32, #tpu.memory_space<vmem>>) attributes {dimension_semantics = [], scalar_prefetch = 0 : i64, scratch_operands = 0 : i64, tpu.core_type = #tpu.core_type<tc>} {
    %get3A = arith.constant 0 : index
    %get3A_0 = arith.constant 0 : index
    %get3A_1 = vector.load %arg0[%get3A, %get3A_0] : memref<10000x128xf32, #tpu.memory_space<vmem>>, vector<10000x128xf32>
    %get3A_2 = arith.constant 0 : index
    %get3A_3 = arith.constant 0 : index
    %get3A_4 = vector.load %arg1[%get3A_2, %get3A_3] : memref<128x128xf32, #tpu.memory_space<vmem>>, vector<128x128xf32>
    %dot_general3A = arith.constant dense<0.000000e+00> : vector<10000x128xf32>
    %dot_general3A_5 = tpu.matmul %get3A_1, %get3A_4, %dot_general3A {dimension_numbers = #tpu.dot_dimension_numbers<[1], [0], [0], [1], [0, 0, 1, 1], [], []>, transpose_lhs_hint = false} : vector<10000x128xf32>, vector<128x128xf32>, vector<10000x128xf32> -> vector<10000x128xf32>
    %swap3A = arith.constant 0 : index
    %swap3A_6 = arith.constant 0 : index
    %swap3A_7 = vector.load %arg2[%swap3A, %swap3A_6] : memref<10000x128xf32, #tpu.memory_space<vmem>>, vector<10000x128xf32>
    tpu.vector_store %arg2[%swap3A, %swap3A_6], %dot_general3A_5 {strides = array<i32>} : memref<10000x128xf32, #tpu.memory_space<vmem>>, vector<10000x128xf32>,
    return
  }
}

module attributes {stable_mosaic.version = 14 : i64} {
  func.func @body(%arg0: memref<10000x128xf32, #tpu.memory_space<vmem>>, %arg1: memref<2x2x10240xf32, #tpu.memory_space<vmem>>, %arg2: memref<2x10000x128xbf16, #tpu.memory_space<vmem>>) attributes {dimension_semantics = [], scalar_prefetch = 0 : i64, scratch_operands = 0 : i64, tpu.core_type = #tpu.core_type<tc>} {
    %get3A = arith.constant 0 : index
    %get3A_0 = arith.constant 0 : index
    %get3A_1 = arith.constant 0 : index
    %get3A_2 = vector.load %arg1[%get3A, %get3A_0, %get3A_1] : memref<2x2x10240xf32, #tpu.memory_space<vmem>>, vector<1x1x10240xf32>
    %get3A_3 = vector.shape_cast %get3A_2 : vector<1x1x10240xf32> to vector<10240xf32>
    %get3A_4 = arith.constant 1 : index
    %get3A_5 = arith.constant 0 : index
    %get3A_6 = arith.constant 0 : index
    %get3A_7 = vector.load %arg1[%get3A_4, %get3A_5, %get3A_6] : memref<2x2x10240xf32, #tpu.memory_space<vmem>>, vector<1x1x10240xf32>
    %get3A_8 = vector.shape_cast %get3A_7 : vector<1x1x10240xf32> to vector<10240xf32>
    %add3A = arith.addf %get3A_3, %get3A_8 : vector<10240xf32>
    %slice3A = vector.extract_strided_slice %add3A {offsets = [0], sizes = [10000], strides = [1]} : vector<10240xf32> to vector<10000xf32>
    %max3A = arith.constant 1.000000e+00 : f32
    %max3A_9 = vector.broadcast %max3A : f32 to vector<10000xf32>
    %max3A_10 = arith.maximumf %slice3A, %max3A_9 : vector<10000xf32>
    %rsqrt3A = math.rsqrt %max3A_10 : vector<10000xf32>
    %get3A_11 = arith.constant 0 : index
    %get3A_12 = arith.constant 0 : index
    %get3A_13 = vector.load %arg0[%get3A_11, %get3A_12] : memref<10000x128xf32, #tpu.memory_space<vmem>>, vector<10000x128xf32>
    %broadcast_in_dim3A = vector.shape_cast %rsqrt3A : vector<10000xf32> to vector<10000x1xf32>
    %mul3A = vector.broadcast %broadcast_in_dim3A : vector<10000x1xf32> to vector<10000x128xf32>
    %mul3A_14 = arith.mulf %get3A_13, %mul3A : vector<10000x128xf32>
    %convert_element_type3A = arith.truncf %mul3A_14 : vector<10000x128xf32> to vector<10000x128xbf16>
    %swap3A = arith.constant 0 : index
    %swap3A_15 = arith.constant 0 : index
    %swap3A_16 = arith.constant 0 : index
    %swap3A_17 = vector.load %arg2[%swap3A, %swap3A_15, %swap3A_16] : memref<2x10000x128xbf16, #tpu.memory_space<vmem>>, vector<1x10000x128xbf16>
    %swap3A_18 = vector.shape_cast %swap3A_17 : vector<1x10000x128xbf16> to vector<10000x128xbf16>
    %swap3A_19 = vector.shape_cast %convert_element_type3A : vector<10000x128xbf16> to vector<1x10000x128xbf16>
    tpu.vector_store %arg2[%swap3A, %swap3A_15, %swap3A_16], %swap3A_19 {strides = array<i32>} : memref<2x10000x128xbf16, #tpu.memory_space<vmem>>, vector<1x10000x128xbf16>,
    %swap3A_20 = arith.constant 1 : index
    %swap3A_21 = arith.constant 0 : index
    %swap3A_22 = arith.constant 0 : index
    %swap3A_23 = vector.load %arg2[%swap3A_20, %swap3A_21, %swap3A_22] : memref<2x10000x128xbf16, #tpu.memory_space<vmem>>, vector<1x10000x128xbf16>
    %swap3A_24 = vector.shape_cast %swap3A_23 : vector<1x10000x128xbf16> to vector<10000x128xbf16>
    %swap3A_25 = vector.shape_cast %convert_element_type3A : vector<10000x128xbf16> to vector<1x10000x128xbf16>
    tpu.vector_store %arg2[%swap3A_20, %swap3A_21, %swap3A_22], %swap3A_25 {strides = array<i32>} : memref<2x10000x128xbf16, #tpu.memory_space<vmem>>, vector<1x10000x128xbf16>,
    return
  }
}

module attributes {stable_mosaic.version = 14 : i64} {
  func.func @body(%arg0: memref<2x10240x128xbf16, #tpu.memory_space<vmem>>, %arg1: memref<2x2x10240xf32, #tpu.memory_space<vmem>>, %arg2: memref<1x128xf32, #tpu.memory_space<vmem>>, %arg3: memref<10240x128xf32, #tpu.memory_space<vmem>>) attributes {dimension_semantics = [], scalar_prefetch = 0 : i64, scratch_operands = 0 : i64, tpu.core_type = #tpu.core_type<tc>} {
    %get3A = arith.constant 0 : index
    %get3A_0 = arith.constant 0 : index
    %get3A_1 = arith.constant 0 : index
    %get3A_2 = vector.load %arg0[%get3A, %get3A_0, %get3A_1] : memref<2x10240x128xbf16, #tpu.memory_space<vmem>>, vector<1x10240x128xbf16>
    %get3A_3 = vector.shape_cast %get3A_2 : vector<1x10240x128xbf16> to vector<10240x128xbf16>
    %convert_element_type3A = arith.extf %get3A_3 : vector<10240x128xbf16> to vector<10240x128xf32>
    %get3A_4 = arith.constant 1 : index
    %get3A_5 = arith.constant 0 : index
    %get3A_6 = arith.constant 0 : index
    %get3A_7 = vector.load %arg0[%get3A_4, %get3A_5, %get3A_6] : memref<2x10240x128xbf16, #tpu.memory_space<vmem>>, vector<1x10240x128xbf16>
    %get3A_8 = vector.shape_cast %get3A_7 : vector<1x10240x128xbf16> to vector<10240x128xbf16>
    %convert_element_type3A_9 = arith.extf %get3A_8 : vector<10240x128xbf16> to vector<10240x128xf32>
    %add3A = arith.addf %convert_element_type3A, %convert_element_type3A_9 : vector<10240x128xf32>
    %get3A_10 = arith.constant 0 : index
    %get3A_11 = arith.constant 1 : index
    %get3A_12 = arith.constant 0 : index
    %get3A_13 = vector.load %arg1[%get3A_10, %get3A_11, %get3A_12] : memref<2x2x10240xf32, #tpu.memory_space<vmem>>, vector<1x1x10240xf32>
    %get3A_14 = vector.shape_cast %get3A_13 : vector<1x1x10240xf32> to vector<10240xf32>
    %get3A_15 = arith.constant 1 : index
    %get3A_16 = arith.constant 1 : index
    %get3A_17 = arith.constant 0 : index
    %get3A_18 = vector.load %arg1[%get3A_15, %get3A_16, %get3A_17] : memref<2x2x10240xf32, #tpu.memory_space<vmem>>, vector<1x1x10240xf32>
    %get3A_19 = vector.shape_cast %get3A_18 : vector<1x1x10240xf32> to vector<10240xf32>
    %add3A_20 = arith.addf %get3A_14, %get3A_19 : vector<10240xf32>
    %max3A = arith.constant 1.000000e+00 : f32
    %max3A_21 = vector.broadcast %max3A : f32 to vector<10240xf32>
    %max3A_22 = arith.maximumf %add3A_20, %max3A_21 : vector<10240xf32>
    %rsqrt3A = math.rsqrt %max3A_22 : vector<10240xf32>
    %broadcast_in_dim3A = vector.shape_cast %rsqrt3A : vector<10240xf32> to vector<10240x1xf32>
    %mul3A = vector.broadcast %broadcast_in_dim3A : vector<10240x1xf32> to vector<10240x128xf32>
    %mul3A_23 = arith.mulf %add3A, %mul3A : vector<10240x128xf32>
    %get3A_24 = arith.constant 0 : index
    %get3A_25 = arith.constant 0 : index
    %get3A_26 = vector.load %arg2[%get3A_24, %get3A_25] : memref<1x128xf32, #tpu.memory_space<vmem>>, vector<1x128xf32>
    %add3A_27 = vector.broadcast %get3A_26 : vector<1x128xf32> to vector<10240x128xf32>
    %add3A_28 = arith.addf %mul3A_23, %add3A_27 : vector<10240x128xf32>
    %max3A_29 = arith.constant 0.000000e+00 : f32
    %max3A_30 = vector.broadcast %max3A_29 : f32 to vector<10240x128xf32>
    %max3A_31 = arith.maximumf %add3A_28, %max3A_30 : vector<10240x128xf32>
    %swap3A = arith.constant 0 : index
    %swap3A_32 = arith.constant 0 : index
    %swap3A_33 = vector.load %arg3[%swap3A, %swap3A_32] : memref<10240x128xf32, #tpu.memory_space<vmem>>, vector<10240x128xf32>
    tpu.vector_store %arg3[%swap3A, %swap3A_32], %max3A_31 {strides = array<i32>} : memref<10240x128xf32, #tpu.memory_space<vmem>>, vector<10240x128xf32>,
    return
  }
}

</mosaic_0001>

<sc_bundles>
// kernel: kernel.10.cloned.1.call-start
scs
__scs_entry_jumppad:
0x0: {  	(pc) =	sbr.rel $0x88, $3  }
0x1: {  	(tag) =	ssettag $0x0;
	lr =	simm.s32 $0x1  }
0x2: {  	[smem:$0x3F9D] =	sst lr;
	_ =	strace $0xD0000000  }
0x3: {  	_ = 	snop  }
0x4: {  	_ = 	snop  }
0x5: {  	_ = 	snop  }
0x6: {  	_ = 	snop  }
0x7: {  	_ = 	snop  }
__scs_overlays_trampoline_lowered:
0x8: {  	[smem:$0x3FAC] =	sst s0  }
0x9: {  	[smem:$0x3FAD] =	sst s1  }
0xa: {  	[smem:$0x3FAE] =	sst s2  }
0xb: {  	[smem:$0x3FAF] =	sst s3  }
0xc: {  	[smem:$0x3FB0] =	sst s4  }
0xd: {  	[smem:$0x3FB1] =	sst s5  }
0xe: {  	[smem:$0x3FB2] =	sst s6  }
0xf: {  	[smem:$0x3FB3] =	sst s7  }
0x10: {  	[smem:$0x3FB4] =	sst s8  }
0x11: {  	[smem:$0x3FB5] =	sst s9;
	s0 =	simm.s32 @!p0 $0x0  }
0x12: {  	s1 =	sld [smem:$0x3F9B];
	s0 =	simm.s32 @p0 $0x1  }
0x13: {  	[smem:$0x3FB6] =	sst s0;
	s0 =	simm.s32 @!p1 $0x0  }
0x14: {  	s2 =	sld [smem:$0x3F9A];
	s0 =	simm.s32 @p1 $0x1  }
0x15: {  	[smem:$0x3FB7] =	sst s0;
	s0 =	simm.s32 @!p2 $0x0  }
0x16: {  	s3 =	sld [smem:$0x3FDB];
	s0 =	simm.s32 @p2 $0x1  }
0x17: {  	s4 =	simm.s32 $0x1BF5;
	[smem:$0x3FB9] =	sst s0  }
0x18: {  	s0 =	sld [smem:$0x3F9C];
	_ =	swait.ge [sflag:s4], $0x0  }
0x19: {  	s7 =	sld [smem:$0x3F9D]  }
0x1a: {  	s8 =	sadd.s32 $0xFFFFE003, lr  }
0x1b: {  	s9 =	sadd.s32 $0xFFFFFEF7, lr;
	s5 =	simm.s32 $0xFFFFFFFF;
	p2 =	slt.u32 s8, $0xFFFFF086  }
0x1c: {  	p1 =	slt.u32 s9, $0xF7A;
	s5 =	simm.s32 @!p2 $0x0  }
0x1d: {  	s5 =	simm.s32 @p1 $0x1;
	p0 =	seq.s32 s7, s2  }
0x1e: {  	s7 =	smul.u32 @!p0 $0xF7A, s2;
	p2 =	seq.s32 @!p0 s5, $0x0  }
0x1f: {  	s9 =	smul.u32 $0xF7A, s1;
	s8 =	simm.s32 @!p0 $0x1BF5;
	p2 =	por !p2, p0  }
0x20: {  	[sflag:s8] =	ssyncset.s32 @!p0 $0xFFFFF086;
	s6 =	sadd.s32 @!p0 s3, s7;
	s7 =	simm.s32 @!p0 $0x108  }
0x21: {  	s3 =	sadd.s32 s3, s9;
	s6 =	sadd.s32 @!p0 $0x88, s6;
	s7 =	simm.s32 @p2 $0x1082  }
0x22: {  	[simem:s7], [sflag:s8] =	dma.local @!p0 [hbm:s6], $0xF7A  }
0x23: {  	s9 =	sor.u32 $0xD0000000, s2;
	s6 =	simm.s32 $0x108;
	_ =	swait.ge @!p0 [sflag:s8], $0x0  }
0x24: {  	s3 =	sadd.s32 $0x88, s3;
	s6 =	simm.s32 @!p1 $0x1082;
	[sflag:s4] =	ssyncset.s32 $0xFFFFF086  }
0x25: {  	[simem:s6], [sflag:s4] =	dma.local [hbm:s3], $0xF7A  }
0x26: {  	[smem:$0x3F9D] =	sst s1;
	(tag) =	ssettag s2;
	_ =	strace s9  }
0x27: {  	s1 =	sld [smem:$0x3FAD]  }
0x28: {  	s2 =	sld [smem:$0x3FAE]  }
0x29: {  	s4 =	sld [smem:$0x3FB0]  }
0x2a: {  	p0 =	seq.s32 s5, $0x0;
	s5 =	sld [smem:$0x3FB1]  }
0x2b: {  	s6 =	sld [smem:$0x3FB2]  }
0x2c: {  	s7 =	sld [smem:$0x3FB3]  }
0x2d: {  	s3 =	simm.s32 $0x108;
	s8 =	sld [smem:$0x3FB4]  }
0x2e: {  	s3 =	simm.s32 @!p0 $0x1082;
	s9 =	sld [smem:$0x3FB5]  }
0x2f: {  	lr =	sadd.s32 s0, s3;
	s0 =	sld [smem:$0x3FAC]  }
0x30: {  	s3 =	sld [smem:$0x3FAF]  }
0x31: {  	[smem:$0x3FB8] =	sst s10  }
0x32: {  	s10 =	sld [smem:$0x3FB6];
	_ =	sdelay $0x3  }
0x33: {  	p0 =	seq.s32 s10, $0x1;
	s10 =	sld [smem:$0x3FB8];
	_ =	sdelay $0x3  }
0x34: {  	[smem:$0x3FB8] =	sst s10  }
0x35: {  	s10 =	sld [smem:$0x3FB7];
	_ =	sdelay $0x3  }
0x36: {  	p1 =	seq.s32 s10, $0x1;
	s10 =	sld [smem:$0x3FB8];
	_ =	sdelay $0x3  }
0x37: {  	[smem:$0x3FB8] =	sst s10  }
0x38: {  	s10 =	sld [smem:$0x3FB9]  }
0x39: {  	_ = 	snop;
	(pc) =	sbr.ind lr, $3  }
0x3a: {  	_ = 	snop  }
0x3b: {  	_ = 	snop  }
0x3c: {  	p2 =	seq.s32 s10, $0x1;
	s10 =	sld [smem:$0x3FB8]  }
0x3d: {  	_ =	shalt  }
0x3e: {  	_ =	shalt  }
0x3f: {  	_ =	shalt  }
0x40: {  	_ =	shalt  }
0x41: {  	_ =	shalt  }
0x42: {  	_ =	shalt  }
0x43: {  	_ =	shalt  }
0x44: {  	_ =	shalt  }
0x45: {  	_ =	shalt  }
0x46: {  	_ =	shalt  }
0x47: {  	_ =	shalt  }
0x48: {  	_ =	shalt  }
0x49: {  	_ =	shalt  }
0x4a: {  	_ =	shalt  }
0x4b: {  	_ =	shalt  }
0x4c: {  	_ =	shalt  }
0x4d: {  	_ =	shalt  }
0x4e: {  	_ =	shalt  }
0x4f: {  	_ =	shalt  }
0x50: {  	_ =	shalt  }
0x51: {  	_ =	shalt  }
0x52: {  	_ =	shalt  }
0x53: {  	_ =	shalt  }
0x54: {  	_ =	shalt  }
0x55: {  	_ =	shalt  }
0x56: {  	_ =	shalt  }
0x57: {  	_ =	shalt  }
0x58: {  	_ =	shalt  }
0x59: {  	_ =	shalt  }
0x5a: {  	_ =	shalt  }
0x5b: {  	_ =	shalt  }
0x5c: {  	_ =	shalt  }
0x5d: {  	_ =	shalt  }
0x5e: {  	_ =	shalt  }
0x5f: {  	_ =	shalt  }
0x60: {  	_ =	shalt  }
0x61: {  	_ =	shalt  }
0x62: {  	_ =	shalt  }
0x63: {  	_ =	shalt  }
0x64: {  	_ =	shalt  }
0x65: {  	_ =	shalt  }
0x66: {  	_ =	shalt  }
0x67: {  	_ =	shalt  }
0x68: {  	_ =	shalt  }
0x69: {  	_ =	shalt  }
0x6a: {  	_ =	shalt  }
0x6b: {  	_ =	shalt  }
0x6c: {  	_ =	shalt  }
0x6d: {  	_ =	shalt  }
0x6e: {  	_ =	shalt  }
0x6f: {  	_ =	shalt  }
0x70: {  	_ =	shalt  }
0x71: {  	_ =	shalt  }
0x72: {  	_ =	shalt  }
0x73: {  	_ =	shalt  }
0x74: {  	_ =	shalt  }
0x75: {  	_ =	shalt  }
0x76: {  	_ =	shalt  }
0x77: {  	_ =	shalt  }
0x78: {  	_ =	shalt  }
0x79: {  	_ =	shalt  }
0x7a: {  	_ =	shalt  }
0x7b: {  	_ =	shalt  }
0x7c: {  	_ =	shalt  }
0x7d: {  	_ =	shalt  }
0x7e: {  	_ =	shalt  }
0x7f: {  	_ =	shalt  }
0x80: {  	_ =	shalt  }
0x81: {  	_ =	shalt  }
0x82: {  	_ =	shalt  }
0x83: {  	_ =	shalt  }
0x84: {  	_ =	shalt  }
0x85: {  	_ =	shalt  }
0x86: {  	_ =	shalt  }
0x87: {  	_ =	shalt  }
.Lfunc_end0:
.L_simem_size_0:
called_computation.1_lowered:
.L_overlay_start_0:
0x88: {  	s2 =	sld [smem:$0x3FD9]  }
0x89: {  	s3 =	sld [smem:$0x3FFE];
	_ =	sdelay $0x1  }
0x8a: {  	s1 =	srdreg.scid  }
0x8b: {  	s0 =	sand.u32 $0x1, s1  }
0x8c: {  	s17 =	sshll.u32 s0, $0xA;
	s2 =	sadd.s32 s3, s2  }
0x8d: {  	s2 =	sadd.s32 s2, s17  }
0x8e: {  	[smem:$0x3FC4] =	sst s2  }
0x8f: {  	_ = 	snop  }
0x90: {  	s2 =	sld [smem:$0x3FD0];
	(tm) =	ssettm $0x1  }
0x91: {  	s18 =	sld [smem:$0x3FFB];
	_ =	sdelay $0x3  }
0x92: {  	_ =	strace s18  }
0x93: {  	s3 =	sld [smem:$0x3FFC];
	_ =	sdelay $0x3  }
0x94: {  	_ =	strace s3  }
0x95: {  	s3 =	sld [smem:$0x3FFD];
	_ =	sdelay $0x3  }
0x96: {  	_ =	strace s3  }
0x97: {  	_ =	strace $0x8FFFFFFF  }
0x98: {  	s19 =	sld [smem:$0x3FDB];
	_ =	sdelay $0x1  }
0x99: {  	s4 =	simm.s32 $_scs_section_size  }
0x9a: {  	s5 =	simm.s32 $_size__tile_overlayer_lowered;
	s6 =	simm.s32 $_tile_overlayer_lowered  }
0x9b: {  	s22 =	simm.s32 $0x1BFF;
	s21 =	sshll.u32 s6, $0x1;
	s3 =	sadd.s32 s4, s19  }
0x9c: {  	s7 =	simm.s32 $0x0;
	s20 =	sshll.u32 s5, $0x1;
	s5 =	sadd.s32 s21, s3  }
0x9d: {  	[timem:s7], [sflag:s22] =	dma.local [hbm:s5], s20  }
0x9e: {  	_ =	swait.ge [sflag:s22], s20  }
0x9f: {  	s4 =	ssub.s32 $0x0, s20;
	[sflag:s22] =	ssyncset.done $0x0  }
0xa0: {  	[sflag:s22] =	ssyncadd.s32 s4;
	_ =	sdelay $0x1  }
0xa1: {  	s23 =	simm.s32 $0x1B8B  }
0xa2: {  	_ =	swait.ge [sflag:s23], $0x1  }
0xa3: {  	[sflag:s23] =	ssyncset.done $0x0  }
0xa4: {  	s25 =	simm.s32 $0x1B8E;
	s24 =	sld [smem:$0x3FFE];
	[sflag:s23] =	ssyncadd.s32 $0xFFFFFFFF  }
0xa5: {  	s26 =	simm.s32 $execute0_lowered;
	[smem:$0x3FD2] =	sst s25  }
0xa6: {  	s5 =	sshll.u32 s26, $0x1;
	_ =	strace $0x80000049;
	[dreg:$0x1] =	wrdreg $0xFFFFFFFF  }
0xa7: {  	s28 =	simm.s32 $_size_execute0_lowered;
	s3 =	sadd.s32 s3, s5;
	[dreg:$0x0] =	wrdreg $0x0  }
0xa8: {  	s5 =	sshll.u32 s28, $0x1;
	[dreg:$0x2] =	wrdreg s3  }
0xa9: {  	[dreg:$0x3] =	wrdreg s5  }
0xaa: {  	[dreg:$0x4] =	wrdreg $0xC0  }
0xab: {  	_ =	task [dreg:s7], $0x5FFFF  }
0xac: {  	[dreg:$0x1] =	wrdreg $0xFFFFFFFF  }
0xad: {  	[dreg:$0x0] =	wrdreg $0x60  }
0xae: {  	[dreg:$0x2] =	wrdreg s2  }
0xaf: {  	[dreg:$0x3] =	wrdreg s24  }
0xb0: {  	[dreg:$0x4] =	wrdreg $0x120000  }
0xb1: {  	[dreg:$0x5] =	wrdreg $0x9  }
0xb2: {  	_ =	task.clear_ibuf [dreg:s7], $0x6FFFF;
	_ =	strace $0x90000049  }
0xb3: {  	s29 =	simm.s32 $0x9;
	_ =	strace $0x8000004B  }
0xb4: {  	_ =	swait.ge [sflag:s29], $0x1  }
0xb5: {  	[sflag:s29] =	ssyncadd.s32 $0xFFFFFFFF  }
0xb6: {  	_ =	strace $0x9000004B  }
0xb7: {  	_ =	sfence  }
0xb8: {  	s30 =	sld [smem:$0x0];
	_ =	sdelay $0x2  }
0xb9: {  	s31 =	sshll.u32 s1, $0xD;
	s1 =	sshrl.u32 s1, $0x2  }
0xba: {  	s3 =	sand.u32 $0x4000, s31;
	s1 =	sadd.s32 s1, s30  }
0xbb: {  	s0 =	sor.u32 s3, s0;
	s1 =	sshll.u32 s1, $0x11  }
0xbc: {  	s0 =	sor.u32 s1, s0  }
0xbd: {  	s0 =	sadd.s32 $0x8F2B, s0  }
0xbe: {  	[sflag:s0] =	ssyncadd.remote.s32 $0x1  }
0xbf: {  	_ =	sfence.sel $0xFFFF  }
0xc0: {  	[dreg:$0x0] =	wrdreg $0xFFFFFFFF;
	(pc) =	sbr.abs _section_cstart, $3  }
0xc1: {  	[dreg:$0x1] =	wrdreg $0xFFFFFFFF  }
0xc2: {  	_ =	task.clear_ibuf [dreg:s7], $0x2FFFF;
	_ =	strace $0x9FFFFFFF  }
0xc3: {  	(tm) =	ssettm $0x7FFFFFFF  }
tec
execute0_lowered:
.L_overlay_start_1:
0x0: {  	(tag) =	ssettag $0x1  }
0x1: {  	s0 =	rddreg [dreg:$0x0]  }
0x2: {  	s1 =	rddreg [dreg:$0x1]  }
0x3: {  	s2 =	rddreg [dreg:$0x2]  }
0x4: {  	s11 =	stileid.u32;
	s5 =	simm.s32 $0x0;
	s4 =	srdreg.scid  }
0x5: {  	s12 =	simm.s32 $0xF000;
	s28 =	simm.s32 $0xE000;
	s29 =	simm.s32 $0x10000  }
0x6: {  	s30 =	simm.s32 $0x1;
	s31 =	simm.s32 $0x5;
	s3 =	smul.u32 $0xA00, s11  }
0x7: {  	[smem:$0x7FF] =	sst s5;
	s17 =	smul.u32 $0x14000, s11;
	s6 =	sand.u32 $0x1, s4  }
0x8: {  	s19 =	sshll.u32 s11, $0x6;
	_ =	strace $0x8000004A;
	s4 =	smul.u32 $0x14000, s6  }
0x9: {  	s8 =	ssub.s32 $0x2, s6;
	s10 =	ssub.s32 $0x0, s6;
	p0 =	seq.s32 s6, $0x0  }
0xa: {  	s20 =	smul.u32 $0x13880, s6;
	s6 =	sor.u32 $0x1C09, s19;
	s3 =	sadd.s32 s3, s1  }
0xb: {  	s7 =	sshrl.u32 s17, $0x4;
	s18 =	sshrl.u32 s8, $0x1;
	s5 =	sshrl.u32 s17, $0x1  }
0xc: {  	s12 =	simm.s32 @!p0 $0x4000;
	s9 =	sadd.s32 s7, s1;
	s1 =	sadd.s32 s4, s1  }
0xd: {  	s8 =	ssub.s32 s8, s18;
	s4 =	sand.u32 $0x3E00, s10;
	s21 =	sadd.s32 $0x16800, s3  }
0xe: {  	s5 =	sadd.s32 s5, s2;
	s3 =	sadd.s32 $0xC800, s3;
	[dreg:$0x5] =	wrdreg s21  }
0xf: {  	s9 =	sadd.s32 $0x20800, s9;
	[dreg:$0x6] =	wrdreg s3;
	s22 =	sor.u32 $0x80, s4  }
0x10: {  	s23 =	sor.u32 $0x100, s4;
	s24 =	sor.u32 $0x180, s4;
	s26 =	sadd.s32 $0x34800, s1  }
0x11: {  	s18 =	smax.u32 s8, $0x1;
	s19 =	sadd.s32 $0x5000, s4;
	[dreg:$0x4] =	wrdreg s9  }
0x12: {  	s21 =	simm.s32 $0x9;
	s1 =	simm.s32 $0x6;
	[dreg:$0x7] =	wrdreg s22  }
0x13: {  	s3 =	simm.s32 $0x7;
	s8 =	simm.s32 $0x0;
	[dreg:$0x8] =	wrdreg s23  }
0x14: {  	s9 =	sadd.s32 s0, s20;
	s0 =	simm.s32 $0x3E00;
	[dreg:$0x9] =	wrdreg s24  }
0x15: {  	s20 =	sshrl.u32 s5, $0x3;
	s23 =	simm.s32 $0x80;
	s24 =	sadd.s32 s7, s26  }
0x16: {  	s26 =	simm.s32 $0xC000;
	s22 =	simm.s32 $0x3;
	s0 =	simm.s32 @!p0 $0x5000  }
0x17: {  	s5 =	simm.s32 $0x4;
	s7 =	simm.s32 $0x8;
	s25 =	sadd.s32 $0x4E00, s0  }
0x18: {  	s15 =	sadd.s32 $0x4E80, s0;
	s16 =	sadd.s32 $0x4F00, s0;
	s17 =	sadd.s32 $0x4F80, s0  }
0x19: {  	s0 =	simm.s32 $0x2;
	[dreg:$0xa] =	wrdreg s25;
	s25 =	simm.s32 $0xA000  }
.LBB2_1:
0x1a: {  	s10 =	rddreg [dreg:$0x4]  }
0x1b: {  	[spmem:s20], [sflag:s6] =	dma.local [hbm:s10], $0x1400  }
0x1c: {  	_ =	swait.ge [sflag:s21], $0x1400  }
0x1d: {  	[sflag:s21] =	ssyncset.done $0x0  }
0x1e: {  	s10 =	simm.s32 $0x0;
	s11 =	rddreg [dreg:$0x5];
	[sflag:s21] =	ssyncadd.s32 $0xFFFFEC00  }
0x1f: {  	[tilespmem:s10], [sflag:$0x9] =	stream.linear.gather [hbm4b:s11+s10], $0x5000, $0x38;
	[tilespmem:$0x1C000] =	vst v63  }
0x20: {  	_ =	swait.ge [sflag:s21], $0x5000  }
0x21: {  	[sflag:s21] =	ssyncset.done $0x0  }
0x22: {  	s13 =	simm.s32 $0x5000;
	s14 =	rddreg [dreg:$0x6];
	[sflag:s21] =	ssyncadd.s32 $0xFFFFB000  }
0x23: {  	[tilespmem:s13], [sflag:$0x9] =	stream.linear.gather [hbm4b:s14+s10], $0x5000, $0x38;
	[tilespmem:$0x1C000] =	vst v63  }
0x24: {  	_ =	swait.ge [sflag:s21], $0x5000  }
0x25: {  	[sflag:s21] =	ssyncset.done $0x0  }
0x26: {  	[sflag:s21] =	ssyncadd.s32 $0xFFFFB000  }
0x27: {  	[bflag:$0x0] =	sbarrier.arrive $0xFFFF  }
0x28: {  	[tilespmem:s25], [sflag:$0x1] =	stream.indirect.gather [hbm4b:s9+s23], $0x40, s4, s23, $0xb8;
	[tilespmem:$0x1C000] =	vst v63  }
0x29: {  	s14 =	rddreg [dreg:$0x7]  }
0x2a: {  	[tilespmem:s26], [sflag:$0x2] =	stream.indirect.gather [hbm4b:s9+s23], $0x40, s14, s23, $0xb8;
	[tilespmem:$0x1C000] =	vst v63  }
0x2b: {  	s11 =	rddreg [dreg:$0x8]  }
0x2c: {  	[tilespmem:s28], [sflag:$0x3] =	stream.indirect.gather [hbm4b:s9+s23], $0x40, s11, s23, $0xb8;
	[tilespmem:$0x1C000] =	vst v63  }
0x2d: {  	s13 =	rddreg [dreg:$0x9]  }
0x2e: {  	[tilespmem:s29], [sflag:$0x4] =	stream.indirect.gather [hbm4b:s9+s23], $0x40, s13, s23, $0xb8;
	[tilespmem:$0x1C000] =	vst v63  }
0x2f: {  	_ =	swait.ge [sflag:s30], $0x2000  }
0x30: {  	[sflag:s30] =	ssyncset.done $0x0  }
0x31: {  	s10 =	sadd.s32 $0x0, s19;
	[sflag:s30] =	ssyncadd.s32 $0xFFFFE000  }
0x32: {  	[spmem:s2] =	stream.indirect.scatter.add.bf16 [tilespmem:s25], [sflag:$0x5], $0x40, s10, s23, $0xb8;
	[tilespmem:$0x1C000] =	vst v63  }
0x33: {  	_ =	swait.ge [sflag:s31], $0x2000  }
0x34: {  	s11 =	sadd.s32 $0x0, s4;
	[sflag:s31] =	ssyncset.done $0x0  }
0x35: {  	s14 =	sadd.s32 $0x200, s11;
	[sflag:s31] =	ssyncadd.s32 $0xFFFFE000  }
0x36: {  	[tilespmem:s25], [sflag:$0x1] =	stream.indirect.gather [hbm4b:s9+s23], $0x40, s14, s23, $0xb8;
	[tilespmem:$0x1C000] =	vst v63  }
0x37: {  	_ =	swait.ge [sflag:s0], $0x2000  }
0x38: {  	[sflag:s0] =	ssyncset.done $0x0  }
0x39: {  	s14 =	sadd.s32 $0x80, s10;
	[sflag:s0] =	ssyncadd.s32 $0xFFFFE000  }
0x3a: {  	[spmem:s2] =	stream.indirect.scatter.add.bf16 [tilespmem:s26], [sflag:$0x6], $0x40, s14, s23, $0xb8;
	[tilespmem:$0x1C000] =	vst v63  }
0x3b: {  	_ =	swait.ge [sflag:s1], $0x2000  }
0x3c: {  	[sflag:s1] =	ssyncset.done $0x0  }
0x3d: {  	s14 =	sadd.s32 $0x280, s11;
	[sflag:s1] =	ssyncadd.s32 $0xFFFFE000  }
0x3e: {  	[tilespmem:s26], [sflag:$0x2] =	stream.indirect.gather [hbm4b:s9+s23], $0x40, s14, s23, $0xb8;
	[tilespmem:$0x1C000] =	vst v63  }
0x3f: {  	_ =	swait.ge [sflag:s22], $0x2000  }
0x40: {  	[sflag:s22] =	ssyncset.done $0x0  }
0x41: {  	s14 =	sadd.s32 $0x100, s10;
	[sflag:s22] =	ssyncadd.s32 $0xFFFFE000  }
0x42: {  	[spmem:s2] =	stream.indirect.scatter.add.bf16 [tilespmem:s28], [sflag:$0x7], $0x40, s14, s23, $0xb8;
	[tilespmem:$0x1C000] =	vst v63  }
0x43: {  	_ =	swait.ge [sflag:s3], $0x2000  }
0x44: {  	[sflag:s3] =	ssyncset.done $0x0  }
0x45: {  	s14 =	sadd.s32 $0x300, s11;
	[sflag:s3] =	ssyncadd.s32 $0xFFFFE000  }
0x46: {  	[tilespmem:s28], [sflag:$0x3] =	stream.indirect.gather [hbm4b:s9+s23], $0x40, s14, s23, $0xb8;
	[tilespmem:$0x1C000] =	vst v63  }
0x47: {  	_ =	swait.ge [sflag:s5], $0x2000  }
0x48: {  	p0 =	sne.s32 s12, $0x800;
	[sflag:s5] =	ssyncset.done $0x0  }
.Ltmp0:
0x49: {  	s10 =	sadd.s32 $0x180, s10;
	[sflag:s5] =	ssyncadd.s32 $0xFFFFE000;
	(pc) =	sbr.rel @!p0 .LBB2_3-.Ltmp0, $4  }
0x4a: {  	[spmem:s2] =	stream.indirect.scatter.add.bf16 [tilespmem:s29], [sflag:$0x8], $0x40, s10, s23, $0xb8;
	[tilespmem:$0x1C000] =	vst v63  }
0x4b: {  	_ =	swait.ge [sflag:s7], $0x2000  }
0x4c: {  	[sflag:s7] =	ssyncset.done $0x0  }
0x4d: {  	s11 =	sadd.s32 $0x380, s11;
	s10 =	simm.s32 $0x800;
	[sflag:s7] =	ssyncadd.s32 $0xFFFFE000  }
.LBB2_2:
0x4e: {  	[tilespmem:s29], [sflag:$0x4] =	stream.indirect.gather [hbm4b:s9+s23], $0x40, s11, s23, $0xb8;
	[tilespmem:$0x1C000] =	vst v63  }
0x4f: {  	s11 =	smov.u32 s10;
	s10 =	sadd.s32 $0x800, s10;
	_ =	swait.ge [sflag:s30], $0x2000  }
0x50: {  	s11 =	sshra.s32 s11, $0x2;
	p0 =	sne.s32 s12, s10;
	[sflag:s30] =	ssyncset.done $0x0  }
0x51: {  	s13 =	sadd.s32 s11, s19;
	s11 =	sadd.s32 s11, s4;
	[sflag:s30] =	ssyncadd.s32 $0xFFFFE000  }
0x52: {  	[spmem:s2] =	stream.indirect.scatter.add.bf16 [tilespmem:s25], [sflag:$0x5], $0x40, s13, s23, $0xb8;
	[tilespmem:$0x1C000] =	vst v63  }
0x53: {  	_ =	swait.ge [sflag:s31], $0x2000  }
0x54: {  	[sflag:s31] =	ssyncset.done $0x0  }
0x55: {  	s14 =	sadd.s32 $0x200, s11;
	[sflag:s31] =	ssyncadd.s32 $0xFFFFE000  }
0x56: {  	[tilespmem:s25], [sflag:$0x1] =	stream.indirect.gather [hbm4b:s9+s23], $0x40, s14, s23, $0xb8;
	[tilespmem:$0x1C000] =	vst v63  }
0x57: {  	_ =	swait.ge [sflag:s0], $0x2000  }
0x58: {  	[sflag:s0] =	ssyncset.done $0x0  }
0x59: {  	s14 =	sadd.s32 $0x80, s13;
	[sflag:s0] =	ssyncadd.s32 $0xFFFFE000  }
0x5a: {  	[spmem:s2] =	stream.indirect.scatter.add.bf16 [tilespmem:s26], [sflag:$0x6], $0x40, s14, s23, $0xb8;
	[tilespmem:$0x1C000] =	vst v63  }
0x5b: {  	_ =	swait.ge [sflag:s1], $0x2000  }
0x5c: {  	[sflag:s1] =	ssyncset.done $0x0  }
0x5d: {  	s14 =	sadd.s32 $0x280, s11;
	[sflag:s1] =	ssyncadd.s32 $0xFFFFE000  }
0x5e: {  	[tilespmem:s26], [sflag:$0x2] =	stream.indirect.gather [hbm4b:s9+s23], $0x40, s14, s23, $0xb8;
	[tilespmem:$0x1C000] =	vst v63  }
0x5f: {  	_ =	swait.ge [sflag:s22], $0x2000  }
0x60: {  	[sflag:s22] =	ssyncset.done $0x0  }
0x61: {  	s14 =	sadd.s32 $0x100, s13;
	[sflag:s22] =	ssyncadd.s32 $0xFFFFE000  }
0x62: {  	[spmem:s2] =	stream.indirect.scatter.add.bf16 [tilespmem:s28], [sflag:$0x7], $0x40, s14, s23, $0xb8;
	[tilespmem:$0x1C000] =	vst v63  }
0x63: {  	_ =	swait.ge [sflag:s3], $0x2000  }
0x64: {  	[sflag:s3] =	ssyncset.done $0x0  }
0x65: {  	s14 =	sadd.s32 $0x300, s11;
	[sflag:s3] =	ssyncadd.s32 $0xFFFFE000  }
0x66: {  	[tilespmem:s28], [sflag:$0x3] =	stream.indirect.gather [hbm4b:s9+s23], $0x40, s14, s23, $0xb8;
	[tilespmem:$0x1C000] =	vst v63  }
0x67: {  	_ =	swait.ge [sflag:s5], $0x2000  }
0x68: {  	[sflag:s5] =	ssyncset.done $0x0  }
.Ltmp1:
0x69: {  	s13 =	sadd.s32 $0x180, s13;
	[sflag:s5] =	ssyncadd.s32 $0xFFFFE000;
	(pc) =	sbr.rel @p0 .LBB2_2-.Ltmp1, $4  }
0x6a: {  	[spmem:s2] =	stream.indirect.scatter.add.bf16 [tilespmem:s29], [sflag:$0x8], $0x40, s13, s23, $0xb8;
	[tilespmem:$0x1C000] =	vst v63  }
0x6b: {  	_ =	swait.ge [sflag:s7], $0x2000  }
0x6c: {  	[sflag:s7] =	ssyncset.done $0x0  }
0x6d: {  	s11 =	sadd.s32 $0x380, s11;
	[sflag:s7] =	ssyncadd.s32 $0xFFFFE000  }
.LBB2_3:
0x6e: {  	[tilespmem:s29], [sflag:$0x4] =	stream.indirect.gather [hbm4b:s9+s23], $0x40, s11, s23, $0xb8;
	[tilespmem:$0x1C000] =	vst v63  }
0x6f: {  	_ =	swait.ge [sflag:s30], $0x2000  }
0x70: {  	[sflag:s30] =	ssyncset.done $0x0  }
0x71: {  	s10 =	rddreg [dreg:$0xa];
	[sflag:s30] =	ssyncadd.s32 $0xFFFFE000  }
0x72: {  	[spmem:s2] =	stream.indirect.scatter.add.bf16 [tilespmem:s25], [sflag:$0x5], $0x40, s10, s23, $0xb8;
	[tilespmem:$0x1C000] =	vst v63  }
0x73: {  	_ =	swait.ge [sflag:s31], $0x2000  }
0x74: {  	[sflag:s31] =	ssyncset.done $0x0  }
0x75: {  	[sflag:s31] =	ssyncadd.s32 $0xFFFFE000  }
0x76: {  	_ =	swait.ge [sflag:s0], $0x2000  }
0x77: {  	[sflag:s0] =	ssyncset.done $0x0  }
0x78: {  	[sflag:s0] =	ssyncadd.s32 $0xFFFFE000  }
0x79: {  	[spmem:s2] =	stream.indirect.scatter.add.bf16 [tilespmem:s26], [sflag:$0x6], $0x40, s15, s23, $0xb8;
	[tilespmem:$0x1C000] =	vst v63  }
0x7a: {  	_ =	swait.ge [sflag:s1], $0x2000  }
0x7b: {  	[sflag:s1] =	ssyncset.done $0x0  }
0x7c: {  	[sflag:s1] =	ssyncadd.s32 $0xFFFFE000  }
0x7d: {  	_ =	swait.ge [sflag:s22], $0x2000  }
0x7e: {  	[sflag:s22] =	ssyncset.done $0x0  }
0x7f: {  	[sflag:s22] =	ssyncadd.s32 $0xFFFFE000  }
0x80: {  	[spmem:s2] =	stream.indirect.scatter.add.bf16 [tilespmem:s28], [sflag:$0x7], $0x40, s16, s23, $0xb8;
	[tilespmem:$0x1C000] =	vst v63  }
0x81: {  	_ =	swait.ge [sflag:s3], $0x2000  }
0x82: {  	[sflag:s3] =	ssyncset.done $0x0  }
0x83: {  	[sflag:s3] =	ssyncadd.s32 $0xFFFFE000  }
0x84: {  	_ =	swait.ge [sflag:s5], $0x2000  }
0x85: {  	[sflag:s5] =	ssyncset.done $0x0  }
0x86: {  	[sflag:s5] =	ssyncadd.s32 $0xFFFFE000  }
0x87: {  	[spmem:s2] =	stream.indirect.scatter.add.bf16 [tilespmem:s29], [sflag:$0x8], $0x40, s17, s23, $0xb8;
	[tilespmem:$0x1C000] =	vst v63  }
0x88: {  	_ =	swait.ge [sflag:s7], $0x2000  }
0x89: {  	s8 =	sadd.s32 $0x1, s8;
	[sflag:s7] =	ssyncset.done $0x0  }
0x8a: {  	p0 =	sne.s32 s8, s18;
	[sflag:s7] =	ssyncadd.s32 $0xFFFFE000  }
.Ltmp2:
0x8b: {  	[bflag:$0x0] =	sbarrier.arrive $0xFFFF;
	(pc) =	sbr.rel @p0 .LBB2_1-.Ltmp2, $4  }
0x8c: {  	[hbm:s24], [sflag:s6] =	dma.local [spmem:s20], $0x1400  }
0x8d: {  	_ =	swait.ge [sflag:s21], $0x1400  }
0x8e: {  	[sflag:s21] =	ssyncset.done $0x0  }
0x8f: {  	[sflag:s21] =	ssyncadd.s32 $0xFFFFEC00  }
0x90: {  	_ =	sfence.sel $0x180000  }
0x91: {  	[bflag:$0x0] =	sbarrier.arrive $0xFFFF  }
0x92: {  	_ =	strace $0x9000004A  }
0x93: {  	s0 =	stileid.u32;
	[bflag:$0x2] =	sbarrier.arrive $0xFFFF  }
0x94: {  	p0 =	sne.s32 s0, $0x0;
	s0 =	rddreg [dreg:$0x3]  }
0x95: {  	s0 =	sadd.s32 @!p0 $0x100000, s0  }
0x96: {  	[sflag:s0] =	ssyncadd.tile.s32 @!p0 $0x1;
	_ =	shalt  }
.Lfunc_end2:
_tile_overlayer_lowered:
.L_overlay_start_2:
0x97: {  	(tag) =	ssettag $0x2  }
0x98: {  	s0 =	rddreg [dreg:$0x0];
	s2 =	stileid.u32  }
0x99: {  	s1 =	rddreg [dreg:$0x1];
	p0 =	sne.s32 s2, $0x0  }
0x9a: {  	s3 =	rddreg [dreg:$0x2];
	[bflag:$0x3] =	sbarrier.arrive $0xFFFF;
	s2 =	simm.s32 @!p0 $0x1C09  }
0x9b: {  	[timem:s3], [sflag:s2] =	dma.local @!p0 [hbm:s0], s1  }
0x9c: {  	s0 =	simm.s32 @!p0 $0x9  }
0x9d: {  	_ =	swait.ge @!p0 [sflag:s0], s1  }
0x9e: {  	s1 =	ssub.s32 @!p0 $0x0, s1;
	[sflag:s0] =	ssyncset.done @!p0 $0x0  }
0x9f: {  	[sflag:s0] =	ssyncadd.s32 @!p0 s1  }
0xa0: {  	[bflag:$0x3] =	sbarrier.arrive $0xFFFF  }
0xa1: {  	_ =	shalt  }

// kernel: kernel.7.cloned.1.call-start
scs
__scs_entry_jumppad:
0x0: {  	(pc) =	sbr.rel $0x88, $3  }
0x1: {  	(tag) =	ssettag $0x0;
	lr =	simm.s32 $0x1  }
0x2: {  	[smem:$0x3F9D] =	sst lr;
	_ =	strace $0xD0000000  }
0x3: {  	_ = 	snop  }
0x4: {  	_ = 	snop  }
0x5: {  	_ = 	snop  }
0x6: {  	_ = 	snop  }
0x7: {  	_ = 	snop  }
__scs_overlays_trampoline_lowered:
0x8: {  	[smem:$0x3FAC] =	sst s0  }
0x9: {  	[smem:$0x3FAD] =	sst s1  }
0xa: {  	[smem:$0x3FAE] =	sst s2  }
0xb: {  	[smem:$0x3FAF] =	sst s3  }
0xc: {  	[smem:$0x3FB0] =	sst s4  }
0xd: {  	[smem:$0x3FB1] =	sst s5  }
0xe: {  	[smem:$0x3FB2] =	sst s6  }
0xf: {  	[smem:$0x3FB3] =	sst s7  }
0x10: {  	[smem:$0x3FB4] =	sst s8  }
0x11: {  	[smem:$0x3FB5] =	sst s9;
	s0 =	simm.s32 @!p0 $0x0  }
0x12: {  	s1 =	sld [smem:$0x3F9B];
	s0 =	simm.s32 @p0 $0x1  }
0x13: {  	[smem:$0x3FB6] =	sst s0;
	s0 =	simm.s32 @!p1 $0x0  }
0x14: {  	s2 =	sld [smem:$0x3F9A];
	s0 =	simm.s32 @p1 $0x1  }
0x15: {  	[smem:$0x3FB7] =	sst s0;
	s0 =	simm.s32 @!p2 $0x0  }
0x16: {  	s3 =	sld [smem:$0x3FDB];
	s0 =	simm.s32 @p2 $0x1  }
0x17: {  	s4 =	simm.s32 $0x1BF5;
	[smem:$0x3FB9] =	sst s0  }
0x18: {  	s0 =	sld [smem:$0x3F9C];
	_ =	swait.ge [sflag:s4], $0x0  }
0x19: {  	s7 =	sld [smem:$0x3F9D]  }
0x1a: {  	s8 =	sadd.s32 $0xFFFFE003, lr  }
0x1b: {  	s9 =	sadd.s32 $0xFFFFFEF7, lr;
	s5 =	simm.s32 $0xFFFFFFFF;
	p2 =	slt.u32 s8, $0xFFFFF086  }
0x1c: {  	p1 =	slt.u32 s9, $0xF7A;
	s5 =	simm.s32 @!p2 $0x0  }
0x1d: {  	s5 =	simm.s32 @p1 $0x1;
	p0 =	seq.s32 s7, s2  }
0x1e: {  	s7 =	smul.u32 @!p0 $0xF7A, s2;
	p2 =	seq.s32 @!p0 s5, $0x0  }
0x1f: {  	s9 =	smul.u32 $0xF7A, s1;
	s8 =	simm.s32 @!p0 $0x1BF5;
	p2 =	por !p2, p0  }
0x20: {  	[sflag:s8] =	ssyncset.s32 @!p0 $0xFFFFF086;
	s6 =	sadd.s32 @!p0 s3, s7;
	s7 =	simm.s32 @!p0 $0x108  }
0x21: {  	s3 =	sadd.s32 s3, s9;
	s6 =	sadd.s32 @!p0 $0x88, s6;
	s7 =	simm.s32 @p2 $0x1082  }
0x22: {  	[simem:s7], [sflag:s8] =	dma.local @!p0 [hbm:s6], $0xF7A  }
0x23: {  	s9 =	sor.u32 $0xD0000000, s2;
	s6 =	simm.s32 $0x108;
	_ =	swait.ge @!p0 [sflag:s8], $0x0  }
0x24: {  	s3 =	sadd.s32 $0x88, s3;
	s6 =	simm.s32 @!p1 $0x1082;
	[sflag:s4] =	ssyncset.s32 $0xFFFFF086  }
0x25: {  	[simem:s6], [sflag:s4] =	dma.local [hbm:s3], $0xF7A  }
0x26: {  	[smem:$0x3F9D] =	sst s1;
	(tag) =	ssettag s2;
	_ =	strace s9  }
0x27: {  	s1 =	sld [smem:$0x3FAD]  }
0x28: {  	s2 =	sld [smem:$0x3FAE]  }
0x29: {  	s4 =	sld [smem:$0x3FB0]  }
0x2a: {  	p0 =	seq.s32 s5, $0x0;
	s5 =	sld [smem:$0x3FB1]  }
0x2b: {  	s6 =	sld [smem:$0x3FB2]  }
0x2c: {  	s7 =	sld [smem:$0x3FB3]  }
0x2d: {  	s3 =	simm.s32 $0x108;
	s8 =	sld [smem:$0x3FB4]  }
0x2e: {  	s3 =	simm.s32 @!p0 $0x1082;
	s9 =	sld [smem:$0x3FB5]  }
0x2f: {  	lr =	sadd.s32 s0, s3;
	s0 =	sld [smem:$0x3FAC]  }
0x30: {  	s3 =	sld [smem:$0x3FAF]  }
0x31: {  	[smem:$0x3FB8] =	sst s10  }
0x32: {  	s10 =	sld [smem:$0x3FB6];
	_ =	sdelay $0x3  }
0x33: {  	p0 =	seq.s32 s10, $0x1;
	s10 =	sld [smem:$0x3FB8];
	_ =	sdelay $0x3  }
0x34: {  	[smem:$0x3FB8] =	sst s10  }
0x35: {  	s10 =	sld [smem:$0x3FB7];
	_ =	sdelay $0x3  }
0x36: {  	p1 =	seq.s32 s10, $0x1;
	s10 =	sld [smem:$0x3FB8];
	_ =	sdelay $0x3  }
0x37: {  	[smem:$0x3FB8] =	sst s10  }
0x38: {  	s10 =	sld [smem:$0x3FB9]  }
0x39: {  	_ = 	snop;
	(pc) =	sbr.ind lr, $3  }
0x3a: {  	_ = 	snop  }
0x3b: {  	_ = 	snop  }
0x3c: {  	p2 =	seq.s32 s10, $0x1;
	s10 =	sld [smem:$0x3FB8]  }
0x3d: {  	_ =	shalt  }
0x3e: {  	_ =	shalt  }
0x3f: {  	_ =	shalt  }
0x40: {  	_ =	shalt  }
0x41: {  	_ =	shalt  }
0x42: {  	_ =	shalt  }
0x43: {  	_ =	shalt  }
0x44: {  	_ =	shalt  }
0x45: {  	_ =	shalt  }
0x46: {  	_ =	shalt  }
0x47: {  	_ =	shalt  }
0x48: {  	_ =	shalt  }
0x49: {  	_ =	shalt  }
0x4a: {  	_ =	shalt  }
0x4b: {  	_ =	shalt  }
0x4c: {  	_ =	shalt  }
0x4d: {  	_ =	shalt  }
0x4e: {  	_ =	shalt  }
0x4f: {  	_ =	shalt  }
0x50: {  	_ =	shalt  }
0x51: {  	_ =	shalt  }
0x52: {  	_ =	shalt  }
0x53: {  	_ =	shalt  }
0x54: {  	_ =	shalt  }
0x55: {  	_ =	shalt  }
0x56: {  	_ =	shalt  }
0x57: {  	_ =	shalt  }
0x58: {  	_ =	shalt  }
0x59: {  	_ =	shalt  }
0x5a: {  	_ =	shalt  }
0x5b: {  	_ =	shalt  }
0x5c: {  	_ =	shalt  }
0x5d: {  	_ =	shalt  }
0x5e: {  	_ =	shalt  }
0x5f: {  	_ =	shalt  }
0x60: {  	_ =	shalt  }
0x61: {  	_ =	shalt  }
0x62: {  	_ =	shalt  }
0x63: {  	_ =	shalt  }
0x64: {  	_ =	shalt  }
0x65: {  	_ =	shalt  }
0x66: {  	_ =	shalt  }
0x67: {  	_ =	shalt  }
0x68: {  	_ =	shalt  }
0x69: {  	_ =	shalt  }
0x6a: {  	_ =	shalt  }
0x6b: {  	_ =	shalt  }
0x6c: {  	_ =	shalt  }
0x6d: {  	_ =	shalt  }
0x6e: {  	_ =	shalt  }
0x6f: {  	_ =	shalt  }
0x70: {  	_ =	shalt  }
0x71: {  	_ =	shalt  }
0x72: {  	_ =	shalt  }
0x73: {  	_ =	shalt  }
0x74: {  	_ =	shalt  }
0x75: {  	_ =	shalt  }
0x76: {  	_ =	shalt  }
0x77: {  	_ =	shalt  }
0x78: {  	_ =	shalt  }
0x79: {  	_ =	shalt  }
0x7a: {  	_ =	shalt  }
0x7b: {  	_ =	shalt  }
0x7c: {  	_ =	shalt  }
0x7d: {  	_ =	shalt  }
0x7e: {  	_ =	shalt  }
0x7f: {  	_ =	shalt  }
0x80: {  	_ =	shalt  }
0x81: {  	_ =	shalt  }
0x82: {  	_ =	shalt  }
0x83: {  	_ =	shalt  }
0x84: {  	_ =	shalt  }
0x85: {  	_ =	shalt  }
0x86: {  	_ =	shalt  }
0x87: {  	_ =	shalt  }
.Lfunc_end0:
.L_simem_size_0:
called_computation_lowered:
.L_overlay_start_0:
0x88: {  	s2 =	sld [smem:$0x3FD9]  }
0x89: {  	s3 =	sld [smem:$0x3FFE];
	_ =	sdelay $0x1  }
0x8a: {  	s1 =	srdreg.scid  }
0x8b: {  	s0 =	sand.u32 $0x1, s1  }
0x8c: {  	s17 =	sshll.u32 s0, $0xA;
	s2 =	sadd.s32 s3, s2  }
0x8d: {  	s2 =	sadd.s32 s2, s17  }
0x8e: {  	[smem:$0x3FC4] =	sst s2  }
0x8f: {  	_ = 	snop  }
0x90: {  	s2 =	sld [smem:$0x3FD0];
	(tm) =	ssettm $0x1  }
0x91: {  	s18 =	sld [smem:$0x3FFB];
	_ =	sdelay $0x3  }
0x92: {  	_ =	strace s18  }
0x93: {  	s3 =	sld [smem:$0x3FFC];
	_ =	sdelay $0x3  }
0x94: {  	_ =	strace s3  }
0x95: {  	s3 =	sld [smem:$0x3FFD];
	_ =	sdelay $0x3  }
0x96: {  	_ =	strace s3  }
0x97: {  	_ =	strace $0x8FFFFFFF  }
0x98: {  	s19 =	sld [smem:$0x3FDB];
	_ =	sdelay $0x1  }
0x99: {  	s4 =	simm.s32 $_scs_section_size  }
0x9a: {  	s5 =	simm.s32 $_size__tile_overlayer_lowered;
	s6 =	simm.s32 $_tile_overlayer_lowered  }
0x9b: {  	s22 =	simm.s32 $0x1BFF;
	s21 =	sshll.u32 s6, $0x1;
	s3 =	sadd.s32 s4, s19  }
0x9c: {  	s7 =	simm.s32 $0x0;
	s20 =	sshll.u32 s5, $0x1;
	s5 =	sadd.s32 s21, s3  }
0x9d: {  	[timem:s7], [sflag:s22] =	dma.local [hbm:s5], s20  }
0x9e: {  	_ =	swait.ge [sflag:s22], s20  }
0x9f: {  	s4 =	ssub.s32 $0x0, s20;
	[sflag:s22] =	ssyncset.done $0x0  }
0xa0: {  	[sflag:s22] =	ssyncadd.s32 s4;
	_ =	sdelay $0x1  }
0xa1: {  	s23 =	simm.s32 $0x1B8B  }
0xa2: {  	_ =	swait.ge [sflag:s23], $0x1  }
0xa3: {  	[sflag:s23] =	ssyncset.done $0x0  }
0xa4: {  	s25 =	simm.s32 $0x1B8E;
	s24 =	sld [smem:$0x3FFE];
	[sflag:s23] =	ssyncadd.s32 $0xFFFFFFFF  }
0xa5: {  	s26 =	simm.s32 $execute0_lowered;
	[smem:$0x3FD2] =	sst s25  }
0xa6: {  	s5 =	sshll.u32 s26, $0x1;
	_ =	strace $0x80000046;
	[dreg:$0x1] =	wrdreg $0xFFFFFFFF  }
0xa7: {  	s28 =	simm.s32 $_size_execute0_lowered;
	s3 =	sadd.s32 s3, s5;
	[dreg:$0x0] =	wrdreg $0x0  }
0xa8: {  	s5 =	sshll.u32 s28, $0x1;
	[dreg:$0x2] =	wrdreg s3  }
0xa9: {  	[dreg:$0x3] =	wrdreg s5  }
0xaa: {  	[dreg:$0x4] =	wrdreg $0xC0  }
0xab: {  	_ =	task [dreg:s7], $0x5FFFF  }
0xac: {  	[dreg:$0x1] =	wrdreg $0xFFFFFFFF  }
0xad: {  	[dreg:$0x0] =	wrdreg $0x60  }
0xae: {  	[dreg:$0x2] =	wrdreg s24  }
0xaf: {  	[dreg:$0x3] =	wrdreg s2  }
0xb0: {  	[dreg:$0x4] =	wrdreg $0xC8A00  }
0xb1: {  	[dreg:$0x5] =	wrdreg $0x9  }
0xb2: {  	_ =	task.clear_ibuf [dreg:s7], $0x6FFFF;
	_ =	strace $0x90000046  }
0xb3: {  	s29 =	simm.s32 $0x9;
	_ =	strace $0x80000048  }
0xb4: {  	_ =	swait.ge [sflag:s29], $0x1  }
0xb5: {  	[sflag:s29] =	ssyncadd.s32 $0xFFFFFFFF  }
0xb6: {  	_ =	strace $0x90000048  }
0xb7: {  	_ =	sfence  }
0xb8: {  	s30 =	sld [smem:$0x0];
	_ =	sdelay $0x2  }
0xb9: {  	s31 =	sshll.u32 s1, $0xD;
	s1 =	sshrl.u32 s1, $0x2  }
0xba: {  	s3 =	sand.u32 $0x4000, s31;
	s1 =	sadd.s32 s1, s30  }
0xbb: {  	s0 =	sor.u32 s3, s0;
	s1 =	sshll.u32 s1, $0x11  }
0xbc: {  	s0 =	sor.u32 s1, s0  }
0xbd: {  	s0 =	sadd.s32 $0x8F2B, s0  }
0xbe: {  	[sflag:s0] =	ssyncadd.remote.s32 $0x1  }
0xbf: {  	_ =	sfence.sel $0xFFFF  }
0xc0: {  	[dreg:$0x0] =	wrdreg $0xFFFFFFFF;
	(pc) =	sbr.abs _section_cstart, $3  }
0xc1: {  	[dreg:$0x1] =	wrdreg $0xFFFFFFFF  }
0xc2: {  	_ =	task.clear_ibuf [dreg:s7], $0x2FFFF;
	_ =	strace $0x9FFFFFFF  }
0xc3: {  	(tm) =	ssettm $0x7FFFFFFF  }
tec
execute0_lowered:
.L_overlay_start_1:
0x0: {  	(tag) =	ssettag $0x1  }
0x1: {  	s4 =	rddreg [dreg:$0x0]  }
0x2: {  	s5 =	rddreg [dreg:$0x1]  }
0x3: {  	s0 =	srdreg.scid;
	s7 =	rddreg [dreg:$0x2]  }
0x4: {  	s2 =	simm.s32 $0x0;
	s14 =	simm.s32 $0x7710;
	s15 =	simm.s32 $0x280  }
0x5: {  	s16 =	simm.s32 $0x9E20;
	s3 =	sand.u32 $0x1, s0;
	s0 =	stileid.u32  }
0x6: {  	s17 =	simm.s32 $0xC620;
	s18 =	simm.s32 $0x0;
	s8 =	smul.u32 $0x280, s0  }
0x7: {  	[smem:$0x7FF] =	sst s2;
	s1 =	sshll.u32 s3, $0x4;
	s9 =	smul.u32 $0x5000, s3  }
0x8: {  	s11 =	ssub.s32 $0x2, s3;
	s12 =	smul.u32 $0xA000, s0;
	s1 =	sor.u32 s0, s1  }
0x9: {  	s3 =	sadd.s32 $0xAE00, s4;
	s13 =	sshrl.u32 s11, $0x1;
	s6 =	smul.u32 $0x4E2, s1  }
0xa: {  	s1 =	rddreg [dreg:$0x3];
	_ =	strace $0x80000047;
	s9 =	sadd.s32 s8, s9  }
0xb: {  	s11 =	ssub.s32 s11, s13;
	s12 =	sshrl.u32 s12, $0x2;
	s9 =	sshrl.u32 s9, $0x3  }
0xc: {  	s13 =	simm.s32 $0x5000;
	s10 =	sadd.s32 s6, s4;
	s9 =	sadd.s32 s9, s4  }
0xd: {  	s5 =	sadd.s32 s5, s6;
	s6 =	sadd.s32 s12, s7;
	s7 =	sadd.s32 s8, s7  }
0xe: {  	s12 =	simm.s32 $0x2800;
	s4 =	sadd.s32 $0x1000, s10;
	s8 =	sadd.s32 $0xB400, s9  }
0xf: {  	v0 =	vimm.f32 $1.000000000e+00;
	s9 =	sadd.s32 $0xB900, s9;
	s10 =	smax.u32 s11, $0x1;
	s11 =	simm.s32 $0x1  }
.LBB2_1:
0x10: {  	[tilespmem:s2], [sflag:$0x1] =	stream.linear.gather [hbm4b:s3+s2], $0x2800, $0x38;
	[tilespmem:$0xF0A0] =	vst v63  }
0x11: {  	_ =	swait.ge [sflag:s11], $0x2800  }
0x12: {  	[sflag:s11] =	ssyncset.done $0x0  }
0x13: {  	[sflag:s11] =	ssyncadd.s32 $0xFFFFD800  }
0x14: {  	[tilespmem:s12], [sflag:$0x1] =	stream.linear.gather [hbm4b:s3+s2], $0x2800, $0x38;
	[tilespmem:$0xF0A0] =	vst v63  }
0x15: {  	_ =	swait.ge [sflag:s11], $0x2800  }
0x16: {  	[sflag:s11] =	ssyncset.done $0x0  }
0x17: {  	[sflag:s11] =	ssyncadd.s32 $0xFFFFD800  }
0x18: {  	[tilespmem:s13], [sflag:$0x1] =	stream.linear.gather [hbm4b:s4+s2], $0x2710, $0x38;
	[tilespmem:$0xF0A0] =	vst v63  }
0x19: {  	_ =	swait.ge [sflag:s11], $0x2710  }
0x1a: {  	[sflag:s11] =	ssyncset.done $0x0  }
0x1b: {  	[sflag:s11] =	ssyncadd.s32 $0xFFFFD8F0  }
0x1c: {  	[tilespmem:s14], [sflag:$0x1] =	stream.linear.gather [hbm4b:s5+s2], $0x2710, $0x38;
	[tilespmem:$0xF0A0] =	vst v63  }
0x1d: {  	_ =	swait.ge [sflag:s11], $0x2710  }
0x1e: {  	[sflag:s11] =	ssyncset.done $0x0  }
0x1f: {  	s20 =	simm.s32 $0x0;
	s19 =	simm.s32 $0x40;
	[sflag:s11] =	ssyncadd.s32 $0xFFFFD8F0  }
.LBB2_2:
0x20: {  	p0 =	sne.s32 s19, $0x9C00;
	v1 =	vld [tilespmem:s20+$0x5000];
	_ =	sdelay $0x7  }
0x21: {  	[tilespmem:v1+s2+$0x0] =	vst.idx.add.f32.msk $0xffff, v0  }
0x22: {  	v1 =	vld [tilespmem:s20+$0x7710];
	_ =	sdelay $0x3  }
.Ltmp0:
0x23: {  	(pc) =	sbr.rel @p0 .LBB2_2-.Ltmp0, $2  }
0x24: {  	_ =	sdelay $0x2  }
0x25: {  	s20 =	sshra.s32 s19, $0x2;
	s19 =	sadd.s32 $0x40, s19;
	[tilespmem:v1+s12+$0x0] =	vst.idx.add.f32.msk $0xffff, v0  }
0x26: {  	v1 =	vld [tilespmem:s20+$0x5000];
	_ =	sdelay $0x7  }
0x27: {  	[tilespmem:v1+s2+$0x0] =	vst.idx.add.f32.msk $0xffff, v0  }
0x28: {  	v1 =	vld [tilespmem:s20+$0x7710];
	_ =	sdelay $0x7  }
0x29: {  	s19 =	simm.s32 $0x0;
	[tilespmem:v1+s12+$0x0] =	vst.idx.add.f32.msk $0xffff, v0  }
0x2a: {  	[spmem:s6] =	stream.linear.scatter [tilespmem:s19], [sflag:$0x1], $0x2800, $0x38;
	[tilespmem:$0xF0A0] =	vst v63  }
0x2b: {  	_ =	swait.ge [sflag:s11], $0x2800  }
0x2c: {  	[sflag:s11] =	ssyncset.done $0x0  }
0x2d: {  	[sflag:s11] =	ssyncadd.s32 $0xFFFFD800  }
0x2e: {  	[bflag:$0x0] =	sbarrier.arrive $0xFFFF  }
0x2f: {  	[tilespmem:s16], [sflag:$0x1] =	stream.strided.gather [spmem:s7], $0x2800, s12, s15, $0x38;
	[tilespmem:$0xF0A0] =	vst v63  }
0x30: {  	_ =	swait.ge [sflag:s11], $0x2800  }
0x31: {  	[sflag:s11] =	ssyncset.done $0x0  }
0x32: {  	s20 =	simm.s32 $0x0;
	[sflag:s11] =	ssyncadd.s32 $0xFFFFD800  }
0x33: {  	v1 =	vld [tilespmem:s20+$0x9E20]  }
0x34: {  	v2 =	vld [tilespmem:s20+$0xA0A0];
	_ =	sdelay $0x1  }
0x35: {  	v3 =	vld [tilespmem:s20+$0xA320];
	_ =	sdelay $0x1  }
0x36: {  	v4 =	vld [tilespmem:s20+$0xA5A0]  }
0x37: {  	v1 =	vadd.f32 v2, v1  }
0x38: {  	v2 =	vld [tilespmem:s20+$0xA820]  }
0x39: {  	v1 =	vadd.f32 v3, v1  }
0x3a: {  	v3 =	vld [tilespmem:s20+$0xAAA0]  }
0x3b: {  	v1 =	vadd.f32 v4, v1  }
0x3c: {  	v4 =	vld [tilespmem:s20+$0xAD20]  }
0x3d: {  	v1 =	vadd.f32 v2, v1  }
0x3e: {  	v2 =	vld [tilespmem:s20+$0xAFA0]  }
0x3f: {  	s19 =	simm.s32 $0x10;
	v5 =	vld [tilespmem:s20+$0xB220];
	v1 =	vadd.f32 v3, v1  }
0x40: {  	v6 =	vld [tilespmem:s19+$0x9E20]  }
0x41: {  	v3 =	vld [tilespmem:s20+$0xB4A0];
	v1 =	vadd.f32 v4, v1  }
0x42: {  	v4 =	vld [tilespmem:s19+$0xA0A0]  }
0x43: {  	v7 =	vld [tilespmem:s19+$0xA320];
	v1 =	vadd.f32 v2, v1  }
0x44: {  	v2 =	vld [tilespmem:s20+$0xB720]  }
0x45: {  	v8 =	vld [tilespmem:s19+$0xA5A0];
	v1 =	vadd.f32 v5, v1  }
0x46: {  	v5 =	vld [tilespmem:s20+$0xB9A0]  }
0x47: {  	v4 =	vadd.f32 v4, v6;
	v6 =	vld [tilespmem:s19+$0xA820];
	v1 =	vadd.f32 v3, v1  }
0x48: {  	v3 =	vld [tilespmem:s20+$0xBC20]  }
0x49: {  	v4 =	vadd.f32 v7, v4;
	v7 =	vld [tilespmem:s19+$0xAAA0];
	v1 =	vadd.f32 v2, v1  }
0x4a: {  	v2 =	vld [tilespmem:s20+$0xBEA0]  }
0x4b: {  	v9 =	vld [tilespmem:s19+$0xAD20];
	v4 =	vadd.f32 v8, v4;
	v1 =	vadd.f32 v5, v1  }
0x4c: {  	v8 =	vld [tilespmem:s20+$0xC120]  }
0x4d: {  	v5 =	vadd.f32 v6, v4;
	v4 =	vld [tilespmem:s19+$0xAFA0];
	v6 =	vadd.f32 v3, v1  }
0x4e: {  	v3 =	vld [tilespmem:s20+$0xC3A0]  }
0x4f: {  	v1 =	vld [tilespmem:s19+$0xB4A0];
	v7 =	vadd.f32 v7, v5;
	v10 =	vadd.f32 v2, v6  }
0x50: {  	s21 =	simm.s32 $0x20;
	v5 =	vld [tilespmem:s19+$0xB220]  }
0x51: {  	s22 =	simm.s32 $0xC0;
	v2 =	vld [tilespmem:s21+$0x9E20];
	v6 =	vadd.f32 v9, v7;
	v7 =	vadd.f32 v8, v10  }
.LBB2_4:
0x52: {  	p0 =	sne.s32 s22, $0x9C0;
	v8 =	vld [tilespmem:s21+$0xA0A0]  }
0x53: {  	v4 =	vadd.f32 v4, v6;
	v6 =	vld [tilespmem:s19+$0xB720];
	v3 =	vadd.f32 v3, v7  }
0x54: {  	v7 =	vld [tilespmem:s21+$0xA320]  }
0x55: {  	v4 =	vadd.f32 v5, v4;
	v5 =	vld [tilespmem:s19+$0xB9A0];
	[tilespmem:s20+$0xC620] =	vst v3;
	s20 =	smov.u32 s19;
	s19 =	smov.u32 s21  }
0x56: {  	v3 =	vld [tilespmem:s19+$0xA5A0]  }
0x57: {  	v2 =	vadd.f32 v8, v2;
	v1 =	vadd.f32 v1, v4;
	v4 =	vld [tilespmem:s20+$0xBC20]  }
0x58: {  	v8 =	vld [tilespmem:s19+$0xA820]  }
0x59: {  	v2 =	vadd.f32 v7, v2;
	v1 =	vadd.f32 v6, v1;
	v6 =	vld [tilespmem:s20+$0xBEA0]  }
0x5a: {  	v7 =	vld [tilespmem:s19+$0xAAA0]  }
0x5b: {  	v2 =	vadd.f32 v3, v2;
	v1 =	vadd.f32 v5, v1;
	v9 =	vld [tilespmem:s20+$0xC120]  }
0x5c: {  	v10 =	vld [tilespmem:s19+$0xAD20]  }
.Ltmp1:
0x5d: {  	v2 =	vadd.f32 v8, v2;
	v5 =	vadd.f32 v4, v1;
	v3 =	vld [tilespmem:s20+$0xC3A0];
	(pc) =	sbr.rel @p0 .LBB2_4-.Ltmp1, $4  }
0x5e: {  	v4 =	vld [tilespmem:s19+$0xAFA0]  }
0x5f: {  	v7 =	vadd.f32 v7, v2;
	v1 =	vld [tilespmem:s19+$0xB4A0];
	v8 =	vadd.f32 v6, v5  }
0x60: {  	s21 =	sshra.s32 s22, $0x2;
	v5 =	vld [tilespmem:s19+$0xB220]  }
0x61: {  	s22 =	sadd.s32 $0x40, s22;
	v2 =	vld [tilespmem:s21+$0x9E20];
	v6 =	vadd.f32 v10, v7;
	v7 =	vadd.f32 v9, v8  }
0x62: {  	v8 =	vld [tilespmem:s21+$0xA0A0]  }
0x63: {  	v9 =	vld [tilespmem:s19+$0xB720];
	v3 =	vadd.f32 v3, v7  }
0x64: {  	v7 =	vld [tilespmem:s21+$0xA320]  }
0x65: {  	v10 =	vld [tilespmem:s19+$0xB9A0];
	v4 =	vadd.f32 v4, v6;
	[tilespmem:s20+$0xC620] =	vst v3  }
0x66: {  	v3 =	vld [tilespmem:s21+$0xA5A0]  }
0x67: {  	v4 =	vadd.f32 v5, v4;
	v2 =	vadd.f32 v8, v2  }
0x68: {  	v5 =	vld [tilespmem:s21+$0xA820]  }
0x69: {  	v6 =	vld [tilespmem:s21+$0xAAA0];
	v1 =	vadd.f32 v1, v4;
	v2 =	vadd.f32 v7, v2  }
0x6a: {  	v4 =	vld [tilespmem:s19+$0xBC20]  }
0x6b: {  	v1 =	vadd.f32 v9, v1;
	v7 =	vld [tilespmem:s19+$0xBEA0];
	v2 =	vadd.f32 v3, v2  }
0x6c: {  	v3 =	vld [tilespmem:s21+$0xAD20]  }
0x6d: {  	v8 =	vld [tilespmem:s19+$0xC120];
	v1 =	vadd.f32 v10, v1;
	v2 =	vadd.f32 v5, v2  }
0x6e: {  	v5 =	vld [tilespmem:s21+$0xAFA0]  }
0x6f: {  	v1 =	vadd.f32 v4, v1;
	v4 =	vld [tilespmem:s19+$0xC3A0];
	v2 =	vadd.f32 v6, v2  }
0x70: {  	v6 =	vld [tilespmem:s21+$0xB220]  }
0x71: {  	v1 =	vadd.f32 v7, v1;
	v2 =	vadd.f32 v3, v2  }
0x72: {  	v3 =	vld [tilespmem:s21+$0xB4A0]  }
0x73: {  	v1 =	vadd.f32 v8, v1;
	v2 =	vadd.f32 v5, v2  }
0x74: {  	v5 =	vld [tilespmem:s21+$0xB720]  }
0x75: {  	v1 =	vadd.f32 v4, v1;
	v2 =	vadd.f32 v6, v2  }
0x76: {  	v4 =	vld [tilespmem:s21+$0xB9A0]  }
0x77: {  	[tilespmem:s19+$0xC620] =	vst v1;
	v1 =	vadd.f32 v3, v2  }
0x78: {  	v2 =	vld [tilespmem:s21+$0xBC20]  }
0x79: {  	v1 =	vadd.f32 v5, v1  }
0x7a: {  	v3 =	vld [tilespmem:s21+$0xBEA0]  }
0x7b: {  	v1 =	vadd.f32 v4, v1  }
0x7c: {  	v4 =	vld [tilespmem:s21+$0xC120]  }
0x7d: {  	v1 =	vadd.f32 v2, v1  }
0x7e: {  	v2 =	vld [tilespmem:s21+$0xC3A0]  }
0x7f: {  	v1 =	vadd.f32 v3, v1;
	_ =	sdelay $0x1  }
0x80: {  	v1 =	vadd.f32 v4, v1;
	_ =	sdelay $0x1  }
0x81: {  	v1 =	vadd.f32 v2, v1;
	_ =	sdelay $0x1  }
0x82: {  	s31 =	simm.s32 $0x0;
	[tilespmem:s21+$0xC620] =	vst v1  }
0x83: {  	[hbm4b:s8+s31] =	stream.linear.scatter [tilespmem:s17], [sflag:$0x1], $0x280, $0x38;
	[tilespmem:$0xF0A0] =	vst v63  }
0x84: {  	_ =	swait.ge [sflag:s11], $0x280  }
0x85: {  	[sflag:s11] =	ssyncset.done $0x0  }
0x86: {  	[sflag:s11] =	ssyncadd.s32 $0xFFFFFD80  }
0x87: {  	[bflag:$0x0] =	sbarrier.arrive $0xFFFF  }
0x88: {  	[spmem:s6] =	stream.linear.scatter [tilespmem:s12], [sflag:$0x1], $0x2800, $0x38;
	[tilespmem:$0xF0A0] =	vst v63  }
0x89: {  	_ =	swait.ge [sflag:s11], $0x2800  }
0x8a: {  	[sflag:s11] =	ssyncset.done $0x0  }
0x8b: {  	[sflag:s11] =	ssyncadd.s32 $0xFFFFD800  }
0x8c: {  	[bflag:$0x0] =	sbarrier.arrive $0xFFFF  }
0x8d: {  	[tilespmem:s16], [sflag:$0x1] =	stream.strided.gather [spmem:s7], $0x2800, s12, s15, $0x38;
	[tilespmem:$0xF0A0] =	vst v63  }
0x8e: {  	_ =	swait.ge [sflag:s11], $0x2800  }
0x8f: {  	[sflag:s11] =	ssyncset.done $0x0  }
0x90: {  	s20 =	simm.s32 $0x0;
	[sflag:s11] =	ssyncadd.s32 $0xFFFFD800  }
0x91: {  	v1 =	vld [tilespmem:s20+$0x9E20]  }
0x92: {  	v2 =	vld [tilespmem:s20+$0xA0A0];
	_ =	sdelay $0x1  }
0x93: {  	v3 =	vld [tilespmem:s20+$0xA320];
	_ =	sdelay $0x1  }
0x94: {  	v4 =	vld [tilespmem:s20+$0xA5A0]  }
0x95: {  	v1 =	vadd.f32 v2, v1  }
0x96: {  	v2 =	vld [tilespmem:s20+$0xA820]  }
0x97: {  	v1 =	vadd.f32 v3, v1  }
0x98: {  	v3 =	vld [tilespmem:s20+$0xAAA0]  }
0x99: {  	v1 =	vadd.f32 v4, v1  }
0x9a: {  	v4 =	vld [tilespmem:s20+$0xAD20]  }
0x9b: {  	v1 =	vadd.f32 v2, v1  }
0x9c: {  	v2 =	vld [tilespmem:s20+$0xAFA0]  }
0x9d: {  	s19 =	simm.s32 $0x10;
	v5 =	vld [tilespmem:s20+$0xB220];
	v1 =	vadd.f32 v3, v1  }
0x9e: {  	v6 =	vld [tilespmem:s19+$0x9E20]  }
0x9f: {  	v3 =	vld [tilespmem:s20+$0xB4A0];
	v1 =	vadd.f32 v4, v1  }
0xa0: {  	v4 =	vld [tilespmem:s19+$0xA0A0]  }
0xa1: {  	v7 =	vld [tilespmem:s19+$0xA320];
	v1 =	vadd.f32 v2, v1  }
0xa2: {  	v2 =	vld [tilespmem:s20+$0xB720]  }
0xa3: {  	v8 =	vld [tilespmem:s19+$0xA5A0];
	v1 =	vadd.f32 v5, v1  }
0xa4: {  	v5 =	vld [tilespmem:s20+$0xB9A0]  }
0xa5: {  	v4 =	vadd.f32 v4, v6;
	v6 =	vld [tilespmem:s19+$0xA820];
	v1 =	vadd.f32 v3, v1  }
0xa6: {  	v3 =	vld [tilespmem:s20+$0xBC20]  }
0xa7: {  	v4 =	vadd.f32 v7, v4;
	v7 =	vld [tilespmem:s19+$0xAAA0];
	v1 =	vadd.f32 v2, v1  }
0xa8: {  	v2 =	vld [tilespmem:s20+$0xBEA0]  }
0xa9: {  	v62 =	vld [tilespmem:s19+$0xAD20];
	v4 =	vadd.f32 v8, v4;
	v1 =	vadd.f32 v5, v1  }
0xaa: {  	v8 =	vld [tilespmem:s20+$0xC120]  }
0xab: {  	v5 =	vadd.f32 v6, v4;
	v4 =	vld [tilespmem:s19+$0xAFA0];
	v6 =	vadd.f32 v3, v1  }
0xac: {  	v3 =	vld [tilespmem:s20+$0xC3A0]  }
0xad: {  	v1 =	vld [tilespmem:s19+$0xB4A0];
	v7 =	vadd.f32 v7, v5;
	v63 =	vadd.f32 v2, v6  }
0xae: {  	s21 =	simm.s32 $0x20;
	v5 =	vld [tilespmem:s19+$0xB220]  }
0xaf: {  	s22 =	simm.s32 $0xC0;
	v2 =	vld [tilespmem:s21+$0x9E20];
	v6 =	vadd.f32 v62, v7;
	v7 =	vadd.f32 v8, v63  }
.LBB2_6:
0xb0: {  	p0 =	sne.s32 s22, $0x9C0;
	v8 =	vld [tilespmem:s21+$0xA0A0]  }
0xb1: {  	v4 =	vadd.f32 v4, v6;
	v6 =	vld [tilespmem:s19+$0xB720];
	v3 =	vadd.f32 v3, v7  }
0xb2: {  	v7 =	vld [tilespmem:s21+$0xA320]  }
0xb3: {  	v4 =	vadd.f32 v5, v4;
	v5 =	vld [tilespmem:s19+$0xB9A0];
	[tilespmem:s20+$0xC620] =	vst v3;
	s20 =	smov.u32 s19;
	s19 =	smov.u32 s21  }
0xb4: {  	v3 =	vld [tilespmem:s19+$0xA5A0]  }
0xb5: {  	v2 =	vadd.f32 v8, v2;
	v1 =	vadd.f32 v1, v4;
	v4 =	vld [tilespmem:s20+$0xBC20]  }
0xb6: {  	v8 =	vld [tilespmem:s19+$0xA820]  }
0xb7: {  	v2 =	vadd.f32 v7, v2;
	v1 =	vadd.f32 v6, v1;
	v6 =	vld [tilespmem:s20+$0xBEA0]  }
0xb8: {  	v7 =	vld [tilespmem:s19+$0xAAA0]  }
0xb9: {  	v2 =	vadd.f32 v3, v2;
	v1 =	vadd.f32 v5, v1;
	v9 =	vld [tilespmem:s20+$0xC120]  }
0xba: {  	v10 =	vld [tilespmem:s19+$0xAD20]  }
.Ltmp2:
0xbb: {  	v2 =	vadd.f32 v8, v2;
	v5 =	vadd.f32 v4, v1;
	v3 =	vld [tilespmem:s20+$0xC3A0];
	(pc) =	sbr.rel @p0 .LBB2_6-.Ltmp2, $4  }
0xbc: {  	v4 =	vld [tilespmem:s19+$0xAFA0]  }
0xbd: {  	v7 =	vadd.f32 v7, v2;
	v1 =	vld [tilespmem:s19+$0xB4A0];
	v8 =	vadd.f32 v6, v5  }
0xbe: {  	s21 =	sshra.s32 s22, $0x2;
	v5 =	vld [tilespmem:s19+$0xB220]  }
0xbf: {  	s22 =	sadd.s32 $0x40, s22;
	v2 =	vld [tilespmem:s21+$0x9E20];
	v6 =	vadd.f32 v10, v7;
	v7 =	vadd.f32 v9, v8  }
0xc0: {  	v8 =	vld [tilespmem:s21+$0xA0A0]  }
0xc1: {  	v9 =	vld [tilespmem:s19+$0xB720];
	v3 =	vadd.f32 v3, v7  }
0xc2: {  	v52 =	vld [tilespmem:s21+$0xA320]  }
0xc3: {  	v10 =	vld [tilespmem:s19+$0xB9A0];
	v4 =	vadd.f32 v4, v6;
	[tilespmem:s20+$0xC620] =	vst v3  }
0xc4: {  	v3 =	vld [tilespmem:s21+$0xA5A0]  }
0xc5: {  	v4 =	vadd.f32 v5, v4;
	v2 =	vadd.f32 v8, v2  }
0xc6: {  	v53 =	vld [tilespmem:s21+$0xA820]  }
0xc7: {  	v54 =	vld [tilespmem:s19+$0xBC20];
	v1 =	vadd.f32 v1, v4;
	v2 =	vadd.f32 v52, v2  }
0xc8: {  	v55 =	vld [tilespmem:s21+$0xAAA0]  }
0xc9: {  	v56 =	vld [tilespmem:s19+$0xBEA0];
	v1 =	vadd.f32 v9, v1;
	v2 =	vadd.f32 v3, v2  }
0xca: {  	v3 =	vld [tilespmem:s21+$0xAD20]  }
0xcb: {  	v57 =	vld [tilespmem:s19+$0xC120];
	v1 =	vadd.f32 v10, v1;
	v2 =	vadd.f32 v53, v2  }
0xcc: {  	v58 =	vld [tilespmem:s21+$0xAFA0]  }
0xcd: {  	v59 =	vld [tilespmem:s19+$0xC3A0];
	v1 =	vadd.f32 v54, v1;
	v2 =	vadd.f32 v55, v2  }
0xce: {  	v60 =	vld [tilespmem:s21+$0xB220]  }
0xcf: {  	v1 =	vadd.f32 v56, v1;
	v2 =	vadd.f32 v3, v2  }
0xd0: {  	v3 =	vld [tilespmem:s21+$0xB4A0]  }
0xd1: {  	v1 =	vadd.f32 v57, v1;
	v2 =	vadd.f32 v58, v2  }
0xd2: {  	v61 =	vld [tilespmem:s21+$0xB720]  }
0xd3: {  	v1 =	vadd.f32 v59, v1;
	v2 =	vadd.f32 v60, v2  }
0xd4: {  	v62 =	vld [tilespmem:s21+$0xB9A0]  }
0xd5: {  	[tilespmem:s19+$0xC620] =	vst v1;
	v1 =	vadd.f32 v3, v2  }
0xd6: {  	v2 =	vld [tilespmem:s21+$0xBC20]  }
0xd7: {  	v1 =	vadd.f32 v61, v1  }
0xd8: {  	v3 =	vld [tilespmem:s21+$0xBEA0]  }
0xd9: {  	v1 =	vadd.f32 v62, v1  }
0xda: {  	v63 =	vld [tilespmem:s21+$0xC120]  }
0xdb: {  	v1 =	vadd.f32 v2, v1  }
0xdc: {  	v2 =	vld [tilespmem:s21+$0xC3A0]  }
0xdd: {  	v1 =	vadd.f32 v3, v1;
	_ =	sdelay $0x1  }
0xde: {  	v1 =	vadd.f32 v63, v1;
	_ =	sdelay $0x1  }
0xdf: {  	v1 =	vadd.f32 v2, v1  }
0xe0: {  	s18 =	sadd.s32 $0x1, s18  }
0xe1: {  	p0 =	sne.s32 s18, s10;
	[tilespmem:s21+$0xC620] =	vst v1  }
0xe2: {  	[hbm4b:s9+s2] =	stream.linear.scatter [tilespmem:s17], [sflag:$0x1], $0x280, $0x38;
	[tilespmem:$0xF0A0] =	vst v63  }
.Ltmp3:
0xe3: {  	_ =	swait.ge [sflag:s11], $0x280;
	(pc) =	sbr.rel @p0 .LBB2_1-.Ltmp3, $3  }
0xe4: {  	[sflag:s11] =	ssyncset.done $0x0  }
0xe5: {  	[sflag:s11] =	ssyncadd.s32 $0xFFFFFD80  }
0xe6: {  	[bflag:$0x0] =	sbarrier.arrive $0xFFFF;
	_ =	sdelay $0x1  }
0xe7: {  	_ =	sfence.sel $0x180000  }
0xe8: {  	[bflag:$0x0] =	sbarrier.arrive $0xFFFF  }
0xe9: {  	p0 =	sne.s32 s0, $0x0;
	_ =	strace $0x90000047  }
0xea: {  	s0 =	sadd.s32 @!p0 $0x100000, s1;
	[bflag:$0x2] =	sbarrier.arrive $0xFFFF  }
0xeb: {  	[sflag:s0] =	ssyncadd.tile.s32 @!p0 $0x1;
	_ =	shalt  }
.Lfunc_end2:
_tile_overlayer_lowered:
.L_overlay_start_2:
0xec: {  	(tag) =	ssettag $0x2  }
0xed: {  	s0 =	rddreg [dreg:$0x0];
	s2 =	stileid.u32  }
0xee: {  	s1 =	rddreg [dreg:$0x1];
	p0 =	sne.s32 s2, $0x0  }
0xef: {  	s3 =	rddreg [dreg:$0x2];
	[bflag:$0x3] =	sbarrier.arrive $0xFFFF;
	s2 =	simm.s32 @!p0 $0x1C01  }
0xf0: {  	[timem:s3], [sflag:s2] =	dma.local @!p0 [hbm:s0], s1  }
0xf1: {  	s0 =	simm.s32 @!p0 $0x1  }
0xf2: {  	_ =	swait.ge @!p0 [sflag:s0], s1  }
0xf3: {  	s1 =	ssub.s32 @!p0 $0x0, s1;
	[sflag:s0] =	ssyncset.done @!p0 $0x0  }
0xf4: {  	[sflag:s0] =	ssyncadd.s32 @!p0 s1  }
0xf5: {  	[bflag:$0x3] =	sbarrier.arrive $0xFFFF  }
0xf6: {  	_ =	shalt  }

</sc_bundles>
